<compile_context>
chip_gen: v7x
topology: tpu7x:2x2x1
jax: 0.10.2.dev20260603
libtpu: 0.0.44.dev20260713+nightly
codegen_flags: <defaults>
</compile_context>

<pallas_src>
import functools

import jax
import jax.numpy as jnp
from jax import lax
from jax.experimental import pallas as pl
from jax.experimental.pallas import tpu as pltpu
from jax.experimental.pallas import tpu_sc as plsc

N = 10000
NP = 10240
C = 128
E = 320000

NS = 16
CHUNK = 128
EPT = E // NS
FULL = EPT // CHUNK
TAIL = EPT - FULL * CHUNK
ROWS_PT = NP // NS
ZCH = 64
CW = 16

_sc_scratch = [
    pltpu.VMEM_SHARED((NP, C), jnp.float32),
    pltpu.VMEM((CHUNK,), jnp.int32),
    pltpu.VMEM((CHUNK,), jnp.int32),
    pltpu.VMEM((TAIL,), jnp.int32),
    pltpu.VMEM((TAIL,), jnp.int32),
    pltpu.VMEM((CHUNK, C), jnp.float32),
    pltpu.VMEM((CHUNK,), jnp.int32),
    pltpu.VMEM((CHUNK,), jnp.int32),
    pltpu.VMEM((CHUNK, C), jnp.float32),
    pltpu.SemaphoreType.DMA,
    pltpu.SemaphoreType.DMA,
    pltpu.SemaphoreType.DMA,
    pltpu.SemaphoreType.DMA,
    pltpu.SemaphoreType.DMA,
    pltpu.SemaphoreType.DMA,
]
_sc_out_type = jax.ShapeDtypeStruct((2 * NP, C), jnp.float32)


def _sc_segsum_body(xs_hbm, src_hbm, dst_hbm, ident_hbm, zrow_hbm,
                    sum_hbm,
                    acc_sh, src_v, dst_v, src_t, dst_t, rows_v,
                    src_b, dst_b, rows_b, sem, sem_b,
                    sem_i1, sem_i2, sem_i3, sem_i4):
    c = lax.axis_index("c")
    s = lax.axis_index("s")

    pltpu.sync_copy(zrow_hbm, rows_v)
    row0 = s * ROWS_PT

    def _zinit(k, _):
        pltpu.sync_copy(ident_hbm.at[pl.ds(row0 + k * CHUNK, CHUNK)], src_v)
        pltpu.sync_copy(rows_v, acc_sh.at[src_v])
        return 0
    lax.fori_loop(0, ROWS_PT // CHUNK, _zinit, 0)
    plsc.subcore_barrier()

    ebase = c * E + s * EPT

    def _edge(g, _):
        off = ebase + g * (2 * CHUNK)
        i_sa = pltpu.async_copy(src_hbm.at[pl.ds(off, CHUNK)], src_v, sem_i1)
        i_da = pltpu.async_copy(dst_hbm.at[pl.ds(off, CHUNK)], dst_v, sem_i2)
        i_sb = pltpu.async_copy(src_hbm.at[pl.ds(off + CHUNK, CHUNK)], src_b,
                                sem_i3)
        i_db = pltpu.async_copy(dst_hbm.at[pl.ds(off + CHUNK, CHUNK)], dst_b,
                                sem_i4)
        i_sa.wait()
        cp_a = pltpu.async_copy(xs_hbm.at[src_v], rows_v, sem)
        i_sb.wait()
        cp_b = pltpu.async_copy(xs_hbm.at[src_b], rows_b, sem_b)
        i_da.wait()
        cp_a.wait()
        pltpu.sync_copy(rows_v, acc_sh.at[dst_v], add=True)
        i_db.wait()
        cp_b.wait()
        pltpu.sync_copy(rows_b, acc_sh.at[dst_b], add=True)
        return 0
    lax.fori_loop(0, FULL // 2, _edge, 0)

    offt = ebase + FULL * CHUNK
    pltpu.sync_copy(src_hbm.at[pl.ds(offt, TAIL)], src_t)
    pltpu.sync_copy(dst_hbm.at[pl.ds(offt, TAIL)], dst_t)
    pltpu.async_copy(xs_hbm.at[src_t], rows_v.at[pl.ds(0, TAIL)], sem).wait()
    pltpu.sync_copy(rows_v.at[pl.ds(0, TAIL)], acc_sh.at[dst_t], add=True)

    plsc.subcore_barrier()

    out0 = c * NP + row0

    def _wout(k, _):
        pltpu.sync_copy(ident_hbm.at[pl.ds(row0 + k * CHUNK, CHUNK)], src_v)
        pltpu.async_copy(acc_sh.at[src_v], rows_v, sem).wait()
        pltpu.sync_copy(rows_v, sum_hbm.at[pl.ds(out0 + k * CHUNK, CHUNK)])
        return 0
    lax.fori_loop(0, ROWS_PT // CHUNK, _wout, 0)


def _sc_count_body(dst_hbm, ident_hbm, zrow_hbm, onerow_hbm,
                   cnt_hbm,
                   acc_sh, src_v, dst_v, src_t, dst_t, rows_v,
                   src_b, dst_b, rows_b, sem, sem_b,
                   sem_i1, sem_i2, sem_i3, sem_i4):
    c = lax.axis_index("c")
    s = lax.axis_index("s")

    pltpu.sync_copy(zrow_hbm, rows_v)
    row0 = s * ROWS_PT

    def _zinit(k, _):
        pltpu.sync_copy(ident_hbm.at[pl.ds(row0 + k * CHUNK, CHUNK)], src_v)
        pltpu.sync_copy(rows_v, acc_sh.at[src_v])
        return 0
    lax.fori_loop(0, ROWS_PT // CHUNK, _zinit, 0)
    plsc.subcore_barrier()

    pltpu.sync_copy(onerow_hbm, rows_v)
    ebase = c * E + s * EPT

    def _edge(g, _):
        off = ebase + g * (2 * CHUNK)
        pltpu.sync_copy(dst_hbm.at[pl.ds(off, CHUNK)], dst_v)
        pltpu.sync_copy(dst_hbm.at[pl.ds(off + CHUNK, CHUNK)], dst_b)
        pltpu.sync_copy(rows_v, acc_sh.at[dst_v], add=True)
        pltpu.sync_copy(rows_v, acc_sh.at[dst_b], add=True)
        return 0
    lax.fori_loop(0, FULL // 2, _edge, 0)

    offt = ebase + FULL * CHUNK
    pltpu.sync_copy(dst_hbm.at[pl.ds(offt, TAIL)], dst_t)
    pltpu.sync_copy(rows_v.at[pl.ds(0, TAIL)], acc_sh.at[dst_t], add=True)

    plsc.subcore_barrier()
    out0 = c * NP + row0

    def _wout(k, _):
        pltpu.sync_copy(ident_hbm.at[pl.ds(row0 + k * CHUNK, CHUNK)], src_v)
        pltpu.async_copy(acc_sh.at[src_v], rows_v, sem).wait()
        pltpu.sync_copy(rows_v, cnt_hbm.at[pl.ds(out0 + k * CHUNK, CHUNK)])
        return 0
    lax.fori_loop(0, ROWS_PT // CHUNK, _wout, 0)


@functools.lru_cache(maxsize=1)
def _get_sc_count():
    mesh = plsc.VectorSubcoreMesh(core_axis_name="c", subcore_axis_name="s",
                                  num_cores=2, num_subcores=NS)
    return pl.kernel(_sc_count_body, out_type=_sc_out_type, mesh=mesh,
                     scratch_types=_sc_scratch)


@functools.lru_cache(maxsize=1)
def _get_sc_segsum():
    mesh = plsc.VectorSubcoreMesh(core_axis_name="c", subcore_axis_name="s",
                                  num_cores=2, num_subcores=NS)
    return pl.kernel(_sc_segsum_body, out_type=_sc_out_type, mesh=mesh,
                     scratch_types=_sc_scratch)


BT = 1024


def _tc_body(xs_r, ms_r, mc_r, wl_r, bl_r, wr_r, lnw_r, lnb_r, o_r):
    cnt = mc_r[0, :, 0:1]
    m = ms_r[0] / jnp.maximum(cnt, 1.0)
    dn = (((1,), (1,)), ((), ()))
    o = (lax.dot_general(m, wl_r[0], dn, preferred_element_type=jnp.float32)
         + bl_r[0, 0]
         + lax.dot_general(xs_r[0], wr_r[0], dn,
                           preferred_element_type=jnp.float32))
    mu = jnp.mean(o, axis=-1, keepdims=True)
    var = jnp.mean((o - mu) * (o - mu), axis=-1, keepdims=True)
    y = (o - mu) * lax.rsqrt(var + 1e-5) * lnw_r[0, 0] + lnb_r[0, 0]
    o_r[0] = jnp.maximum(y, 0.0)


_tc_update = pl.pallas_call(
    _tc_body,
    grid=(2, NP // BT),
    in_specs=[
        pl.BlockSpec((1, BT, C), lambda t, b: (t, b, 0)),
        pl.BlockSpec((1, BT, C), lambda t, b: (1 - t, b, 0)),
        pl.BlockSpec((1, BT, C), lambda t, b: (1 - t, b, 0)),
        pl.BlockSpec((1, C, C), lambda t, b: (t, 0, 0)),
        pl.BlockSpec((1, 1, C), lambda t, b: (t, 0, 0)),
        pl.BlockSpec((1, C, C), lambda t, b: (t, 0, 0)),
        pl.BlockSpec((1, 1, C), lambda t, b: (t, 0, 0)),
        pl.BlockSpec((1, 1, C), lambda t, b: (t, 0, 0)),
    ],
    out_specs=pl.BlockSpec((1, BT, C), lambda t, b: (t, b, 0)),
    out_shape=jax.ShapeDtypeStruct((2, NP, C), jnp.float32),
)


def kernel(x_user, x_item, edge_index_user_to_item, edge_index_item_rev_to_user,
           Wl0_u2i, bl0_u2i, Wr0_u2i, Wl0_i2u, bl0_i2u, Wr0_i2u,
           ln0_user_w, ln0_user_b, ln0_item_w, ln0_item_b,
           Wl1_u2i, bl1_u2i, Wr1_u2i, Wl1_i2u, bl1_i2u, Wr1_i2u,
           ln1_user_w, ln1_user_b, ln1_item_w, ln1_item_b):
    ei_u = edge_index_user_to_item.astype(jnp.int32)
    ei_i = edge_index_item_rev_to_user.astype(jnp.int32)
    src_flat = jnp.concatenate([ei_u[0], ei_i[0] + NP])
    dst_flat = jnp.concatenate([ei_u[1], ei_i[1]])
    zpad = jnp.zeros((NP - N, C), jnp.float32)
    xs = jnp.concatenate([x_user, zpad, x_item, zpad], axis=0)
    ident = jnp.arange(NP, dtype=jnp.int32)
    zrow = jnp.zeros((CHUNK, C), jnp.float32)
    onerow = jnp.ones((CHUNK, C), jnp.float32)
    cnts = _get_sc_count()(dst_flat, ident, zrow, onerow)

    layers = [
        (Wl0_u2i, bl0_u2i, Wr0_u2i, Wl0_i2u, bl0_i2u, Wr0_i2u,
         ln0_user_w, ln0_user_b, ln0_item_w, ln0_item_b),
        (Wl1_u2i, bl1_u2i, Wr1_u2i, Wl1_i2u, bl1_i2u, Wr1_i2u,
         ln1_user_w, ln1_user_b, ln1_item_w, ln1_item_b),
    ]
    for (Wlu, blu, Wru, Wli, bli, Wri, lnuw, lnub, lniw, lnib) in layers:
        sums = _get_sc_segsum()(xs, src_flat, dst_flat, ident, zrow)
        Wl3 = jnp.stack([Wli, Wlu])
        bl3 = jnp.stack([bli, blu])[:, None, :]
        Wr3 = jnp.stack([Wri, Wru])
        lnw3 = jnp.stack([lnuw, lniw])[:, None, :]
        lnb3 = jnp.stack([lnub, lnib])[:, None, :]
        xnew = _tc_update(xs.reshape(2, NP, C), sums.reshape(2, NP, C),
                          cnts.reshape(2, NP, C), Wl3, bl3, Wr3, lnw3, lnb3)
        xs = xnew.reshape(2 * NP, C)
    return (xs[:N], xs[NP:NP + N])

# --- scband reference (transcript-rebuilt; emitter-appended) ---
"""Pipeline reference for scband-hetero-gnn-75428215652543 (READ-ONLY COPY).

The authoritative reference and input builder live on the scoring server;
editing this copy changes nothing except your own understanding.
"""

import jax, jax.numpy as jnp
import numpy as np

N = 10000
C = 128
E = 320000

def _seg_mean(data, seg, num):
    s = jax.ops.segment_sum(data, seg, num_segments=num)
    c = jax.ops.segment_sum(jnp.ones((data.shape[0],), data.dtype), seg, num_segments=num)
    return s / jnp.clip(c, 1.0)[:, None]

def _sage(x_src, x_dst, ei, Wl, bl, Wr):
    m = _seg_mean(x_src[ei[0]], ei[1], x_dst.shape[0])
    return m @ Wl.T + bl + x_dst @ Wr.T

def _ln(x, w, b):
    mu = jnp.mean(x, axis=-1, keepdims=True)
    var = jnp.var(x, axis=-1, keepdims=True)
    return (x - mu) / jnp.sqrt(var + 1e-5) * w + b

def setup_inputs(seed: int = 0):
    key = jax.random.key(seed)
    ks = jax.random.split(key, 16)
    s = 1.0 / np.sqrt(C)
    inp = {}
    inp['x_user'] = jax.random.normal(ks[0], (N, C), jnp.float32)
    inp['x_item'] = jax.random.normal(ks[1], (N, C), jnp.float32)
    inp['edge_index_user_to_item'] = jax.random.randint(ks[2], (2, E), 0, N)
    inp['edge_index_item_rev_to_user'] = jax.random.randint(ks[3], (2, E), 0, N)
    i = 4
    for l in range(2):
        for et in ('u2i', 'i2u'):
            inp['Wl%d_%s' % (l, et)] = jax.random.uniform(ks[i], (C, C), jnp.float32, -s, s); i += 1
            inp['bl%d_%s' % (l, et)] = jnp.zeros((C,), jnp.float32)
            inp['Wr%d_%s' % (l, et)] = jax.random.uniform(ks[i], (C, C), jnp.float32, -s, s); i += 1
        for nt in ('user', 'item'):
            inp['ln%d_%s_w' % (l, nt)] = jnp.ones((C,), jnp.float32)
            inp['ln%d_%s_b' % (l, nt)] = jnp.zeros((C,), jnp.float32)
    return inp

def reference(x_user, x_item, edge_index_user_to_item, edge_index_item_rev_to_user, Wl0_u2i, bl0_u2i, Wr0_u2i, Wl0_i2u, bl0_i2u, Wr0_i2u, ln0_user_w, ln0_user_b, ln0_item_w, ln0_item_b, Wl1_u2i, bl1_u2i, Wr1_u2i, Wl1_i2u, bl1_i2u, Wr1_i2u, ln1_user_w, ln1_user_b, ln1_item_w, ln1_item_b):
    layers = [
        (Wl0_u2i, bl0_u2i, Wr0_u2i, Wl0_i2u, bl0_i2u, Wr0_i2u, ln0_user_w, ln0_user_b, ln0_item_w, ln0_item_b),
        (Wl1_u2i, bl1_u2i, Wr1_u2i, Wl1_i2u, bl1_i2u, Wr1_i2u, ln1_user_w, ln1_user_b, ln1_item_w, ln1_item_b),
    ]
    xu, xi = x_user, x_item
    for (Wlu, blu, Wru, Wli, bli, Wri, lnuw, lnub, lniw, lnib) in layers:
        oi = _sage(xu, xi, edge_index_user_to_item, Wlu, blu, Wru)
        ou = _sage(xi, xu, edge_index_item_rev_to_user, Wli, bli, Wri)
        xu = jax.nn.relu(_ln(ou, lnuw, lnub))
        xi = jax.nn.relu(_ln(oi, lniw, lnib))
    return (xu, xi)

if __name__ == "__main__":
    import jax
    _d = setup_inputs()
    print(jax.jit(kernel)(*tuple(_d.values())))

</pallas_src>

<mosaic_0001>
#map = affine_map<(d0, d1) -> (0)>
#map1 = affine_map<(d0, d1) -> (0, 0)>
module attributes {stable_mosaic.version = 14 : i64} {
  func.func @_sc_count_body(%arg0: i32, %arg1: i32, %arg2: memref<640000xi32, #tpu.memory_space<hbm>>, %arg3: memref<10240xi32, #tpu.memory_space<hbm>>, %arg4: memref<128x128xf32, #tpu.memory_space<hbm>>, %arg5: memref<128x128xf32, #tpu.memory_space<hbm>>, %arg6: memref<20480x128xf32, #tpu.memory_space<hbm>>, %arg7: memref<10240x128xf32, #tpu.memory_space<vmem_shared>>, %arg8: memref<128xi32, #tpu.memory_space<vmem>>, %arg9: memref<128xi32, #tpu.memory_space<vmem>>, %arg10: memref<32xi32, #tpu.memory_space<vmem>>, %arg11: memref<32xi32, #tpu.memory_space<vmem>>, %arg12: memref<128x128xf32, #tpu.memory_space<vmem>>, %arg13: memref<128xi32, #tpu.memory_space<vmem>>, %arg14: memref<128xi32, #tpu.memory_space<vmem>>, %arg15: memref<128x128xf32, #tpu.memory_space<vmem>>, %arg16: memref<!tpu.dma_semaphore, #tpu.memory_space<semaphore_mem>>, %arg17: memref<!tpu.dma_semaphore, #tpu.memory_space<semaphore_mem>>, %arg18: memref<!tpu.dma_semaphore, #tpu.memory_space<semaphore_mem>>, %arg19: memref<!tpu.dma_semaphore, #tpu.memory_space<semaphore_mem>>, %arg20: memref<!tpu.dma_semaphore, #tpu.memory_space<semaphore_mem>>, %arg21: memref<!tpu.dma_semaphore, #tpu.memory_space<semaphore_mem>>) attributes {dimension_semantics = [#tpu.dimension_semantics<core_parallel>, #tpu.dimension_semantics<subcore_parallel>], iteration_bounds = array<i64: 2, 16>, scalar_prefetch = 0 : i64, scratch_operands = 15 : i64, tpu.core_type = #tpu.core_type<sc_vector_subcore>, window_params = [{transform_indices = #map}, {transform_indices = #map}, {transform_indices = #map1}, {transform_indices = #map1}, {transform_indices = #map1}]} {
    "tpu.region"() ({
      %run_scoped3A = tpu.sem_alloc : memref<!tpu.dma_semaphore, #tpu.memory_space<semaphore_mem>>
      tpu.enqueue_dma source(%arg4 : memref<128x128xf32, #tpu.memory_space<hbm>>) target(%arg12 : memref<128x128xf32, #tpu.memory_space<vmem>>) target_semaphore(%run_scoped3A : memref<!tpu.dma_semaphore, #tpu.memory_space<semaphore_mem>>)
      tpu.wait_dma2 semaphore(%run_scoped3A : memref<!tpu.dma_semaphore, #tpu.memory_space<semaphore_mem>>) src(%arg4 : memref<128x128xf32, #tpu.memory_space<hbm>>) dst(%arg12 : memref<128x128xf32, #tpu.memory_space<vmem>>)
      tpu.yield
    }) : () -> ()
    %mul3A = arith.constant 640 : i32
    %mul3A_0 = arith.muli %arg1, %mul3A : i32
    %scan3A = arith.constant 0 : i32
    %scan3A_1 = arith.constant 0 : i32
    %scan3A_2 = arith.constant 5 : i32
    %scan3A_3 = arith.addi %scan3A_1, %scan3A_2 : i32
    %scan3A_4 = arith.constant 1 : i32
    %scan3A_5 = scf.for %scan3A_31 = %scan3A_1 to %scan3A_3 step %scan3A_4 iter_args(%scan3A_32 = %scan3A) -> (i32)  : i32 {
      %mul3A_33 = arith.constant 128 : i32
      %mul3A_34 = arith.muli %scan3A_31, %mul3A_33 : i32
      %add3A_35 = arith.addi %mul3A_0, %mul3A_34 : i32
      "tpu.region"() ({
        %run_scoped3A = tpu.sem_alloc : memref<!tpu.dma_semaphore, #tpu.memory_space<semaphore_mem>>
        %dma_start3A = tpu.memref_slice %arg3[%add3A_35] : memref<10240xi32, #tpu.memory_space<hbm>> -> memref<128xi32, #tpu.memory_space<hbm>>
        %dma_start3A_37 = tpu.memref_slice %arg3[%add3A_35] : memref<10240xi32, #tpu.memory_space<hbm>> -> memref<128xi32, #tpu.memory_space<hbm>>
        tpu.enqueue_dma source(%dma_start3A_37 : memref<128xi32, #tpu.memory_space<hbm>>) target(%arg8 : memref<128xi32, #tpu.memory_space<vmem>>) target_semaphore(%run_scoped3A : memref<!tpu.dma_semaphore, #tpu.memory_space<semaphore_mem>>)
        %dma_wait3A = tpu.memref_slice %arg3[%add3A_35] : memref<10240xi32, #tpu.memory_space<hbm>> -> memref<128xi32, #tpu.memory_space<hbm>>
        %dma_wait3A_38 = tpu.memref_slice %arg3[%add3A_35] : memref<10240xi32, #tpu.memory_space<hbm>> -> memref<128xi32, #tpu.memory_space<hbm>>
        tpu.wait_dma2 semaphore(%run_scoped3A : memref<!tpu.dma_semaphore, #tpu.memory_space<semaphore_mem>>) src(%dma_wait3A_38 : memref<128xi32, #tpu.memory_space<hbm>>) dst(%arg8 : memref<128xi32, #tpu.memory_space<vmem>>)
        tpu.yield
      }) : () -> ()
      "tpu.region"() ({
        %run_scoped3A = tpu.sem_alloc : memref<!tpu.dma_semaphore, #tpu.memory_space<semaphore_mem>>
        %dma_start3A = arith.constant 0 : i32
        %dma_start3A_37 = arith.constant 0 : i32
        %dma_start3A_38 = tpu.memref_slice %arg7[%dma_start3A, %dma_start3A_37] : memref<10240x128xf32, #tpu.memory_space<vmem_shared>> -> memref<10240x128xf32, #tpu.memory_space<vmem_shared>>
        tpu.enqueue_indirect_dma source(%arg12 : memref<128x128xf32, #tpu.memory_space<vmem>>) target(%dma_start3A_38 : memref<10240x128xf32, #tpu.memory_space<vmem_shared>>) offsets(%arg8 : memref<128xi32, #tpu.memory_space<vmem>>) semaphore(%run_scoped3A : memref<!tpu.dma_semaphore, #tpu.memory_space<semaphore_mem>>)
        %dma_wait3A = arith.constant 0 : i32
        %dma_wait3A_39 = arith.constant 0 : i32
        %dma_wait3A_40 = tpu.memref_slice %arg7[%dma_wait3A, %dma_wait3A_39] : memref<10240x128xf32, #tpu.memory_space<vmem_shared>> -> memref<10240x128xf32, #tpu.memory_space<vmem_shared>>
        tpu.wait_indirect_dma semaphore(%run_scoped3A : memref<!tpu.dma_semaphore, #tpu.memory_space<semaphore_mem>>) src(%arg12 : memref<128x128xf32, #tpu.memory_space<vmem>>) dst(%dma_wait3A_40 : memref<10240x128xf32, #tpu.memory_space<vmem_shared>>)
        tpu.yield
      }) : () -> ()
      %scan3A_36 = arith.constant 0 : i32
      scf.yield %scan3A_36 : i32
    }
    %scan3A_6 = arith.constant 5 : i32
    %barrier3A = arith.constant 0 : index
    tpu.barrier barrier_id(%barrier3A)
    "tpu.region"() ({
      %run_scoped3A = tpu.sem_alloc : memref<!tpu.dma_semaphore, #tpu.memory_space<semaphore_mem>>
      tpu.enqueue_dma source(%arg5 : memref<128x128xf32, #tpu.memory_space<hbm>>) target(%arg12 : memref<128x128xf32, #tpu.memory_space<vmem>>) target_semaphore(%run_scoped3A : memref<!tpu.dma_semaphore, #tpu.memory_space<semaphore_mem>>)
      tpu.wait_dma2 semaphore(%run_scoped3A : memref<!tpu.dma_semaphore, #tpu.memory_space<semaphore_mem>>) src(%arg5 : memref<128x128xf32, #tpu.memory_space<hbm>>) dst(%arg12 : memref<128x128xf32, #tpu.memory_space<vmem>>)
      tpu.yield
    }) : () -> ()
    %mul3A_7 = arith.constant 320000 : i32
    %mul3A_8 = arith.muli %arg0, %mul3A_7 : i32
    %mul3A_9 = arith.constant 20000 : i32
    %mul3A_10 = arith.muli %arg1, %mul3A_9 : i32
    %add3A = arith.addi %mul3A_8, %mul3A_10 : i32
    %scan3A_11 = arith.constant 0 : i32
    %scan3A_12 = arith.constant 0 : i32
    %scan3A_13 = arith.constant 78 : i32
    %scan3A_14 = arith.addi %scan3A_12, %scan3A_13 : i32
    %scan3A_15 = arith.constant 1 : i32
    %scan3A_16 = scf.for %scan3A_31 = %scan3A_12 to %scan3A_14 step %scan3A_15 iter_args(%scan3A_32 = %scan3A_11) -> (i32)  : i32 {
      %mul3A_33 = arith.constant 256 : i32
      %mul3A_34 = arith.muli %scan3A_31, %mul3A_33 : i32
      %add3A_35 = arith.addi %add3A, %mul3A_34 : i32
      "tpu.region"() ({
        %run_scoped3A = tpu.sem_alloc : memref<!tpu.dma_semaphore, #tpu.memory_space<semaphore_mem>>
        %dma_start3A = tpu.memref_slice %arg2[%add3A_35] : memref<640000xi32, #tpu.memory_space<hbm>> -> memref<128xi32, #tpu.memory_space<hbm>>
        %dma_start3A_39 = tpu.memref_slice %arg2[%add3A_35] : memref<640000xi32, #tpu.memory_space<hbm>> -> memref<128xi32, #tpu.memory_space<hbm>>
        tpu.enqueue_dma source(%dma_start3A_39 : memref<128xi32, #tpu.memory_space<hbm>>) target(%arg9 : memref<128xi32, #tpu.memory_space<vmem>>) target_semaphore(%run_scoped3A : memref<!tpu.dma_semaphore, #tpu.memory_space<semaphore_mem>>)
        %dma_wait3A = tpu.memref_slice %arg2[%add3A_35] : memref<640000xi32, #tpu.memory_space<hbm>> -> memref<128xi32, #tpu.memory_space<hbm>>
        %dma_wait3A_40 = tpu.memref_slice %arg2[%add3A_35] : memref<640000xi32, #tpu.memory_space<hbm>> -> memref<128xi32, #tpu.memory_space<hbm>>
        tpu.wait_dma2 semaphore(%run_scoped3A : memref<!tpu.dma_semaphore, #tpu.memory_space<semaphore_mem>>) src(%dma_wait3A_40 : memref<128xi32, #tpu.memory_space<hbm>>) dst(%arg9 : memref<128xi32, #tpu.memory_space<vmem>>)
        tpu.yield
      }) : () -> ()
      %add3A_36 = arith.constant 128 : i32
      %add3A_37 = arith.addi %add3A_35, %add3A_36 : i32
      "tpu.region"() ({
        %run_scoped3A = tpu.sem_alloc : memref<!tpu.dma_semaphore, #tpu.memory_space<semaphore_mem>>
        %dma_start3A = tpu.memref_slice %arg2[%add3A_37] : memref<640000xi32, #tpu.memory_space<hbm>> -> memref<128xi32, #tpu.memory_space<hbm>>
        %dma_start3A_39 = tpu.memref_slice %arg2[%add3A_37] : memref<640000xi32, #tpu.memory_space<hbm>> -> memref<128xi32, #tpu.memory_space<hbm>>
        tpu.enqueue_dma source(%dma_start3A_39 : memref<128xi32, #tpu.memory_space<hbm>>) target(%arg14 : memref<128xi32, #tpu.memory_space<vmem>>) target_semaphore(%run_scoped3A : memref<!tpu.dma_semaphore, #tpu.memory_space<semaphore_mem>>)
        %dma_wait3A = tpu.memref_slice %arg2[%add3A_37] : memref<640000xi32, #tpu.memory_space<hbm>> -> memref<128xi32, #tpu.memory_space<hbm>>
        %dma_wait3A_40 = tpu.memref_slice %arg2[%add3A_37] : memref<640000xi32, #tpu.memory_space<hbm>> -> memref<128xi32, #tpu.memory_space<hbm>>
        tpu.wait_dma2 semaphore(%run_scoped3A : memref<!tpu.dma_semaphore, #tpu.memory_space<semaphore_mem>>) src(%dma_wait3A_40 : memref<128xi32, #tpu.memory_space<hbm>>) dst(%arg14 : memref<128xi32, #tpu.memory_space<vmem>>)
        tpu.yield
      }) : () -> ()
      "tpu.region"() ({
        %run_scoped3A = tpu.sem_alloc : memref<!tpu.dma_semaphore, #tpu.memory_space<semaphore_mem>>
        %dma_start3A = arith.constant 0 : i32
        %dma_start3A_39 = arith.constant 0 : i32
        %dma_start3A_40 = tpu.memref_slice %arg7[%dma_start3A, %dma_start3A_39] : memref<10240x128xf32, #tpu.memory_space<vmem_shared>> -> memref<10240x128xf32, #tpu.memory_space<vmem_shared>>
        tpu.enqueue_indirect_dma source(%arg12 : memref<128x128xf32, #tpu.memory_space<vmem>>) target(%dma_start3A_40 : memref<10240x128xf32, #tpu.memory_space<vmem_shared>>) offsets(%arg9 : memref<128xi32, #tpu.memory_space<vmem>>) semaphore(%run_scoped3A : memref<!tpu.dma_semaphore, #tpu.memory_space<semaphore_mem>>) {add = true}
        %dma_wait3A = arith.constant 0 : i32
        %dma_wait3A_41 = arith.constant 0 : i32
        %dma_wait3A_42 = tpu.memref_slice %arg7[%dma_wait3A, %dma_wait3A_41] : memref<10240x128xf32, #tpu.memory_space<vmem_shared>> -> memref<10240x128xf32, #tpu.memory_space<vmem_shared>>
        tpu.wait_indirect_dma semaphore(%run_scoped3A : memref<!tpu.dma_semaphore, #tpu.memory_space<semaphore_mem>>) src(%arg12 : memref<128x128xf32, #tpu.memory_space<vmem>>) dst(%dma_wait3A_42 : memref<10240x128xf32, #tpu.memory_space<vmem_shared>>)
        tpu.yield
      }) : () -> ()
      "tpu.region"() ({
        %run_scoped3A = tpu.sem_alloc : memref<!tpu.dma_semaphore, #tpu.memory_space<semaphore_mem>>
        %dma_start3A = arith.constant 0 : i32
        %dma_start3A_39 = arith.constant 0 : i32
        %dma_start3A_40 = tpu.memref_slice %arg7[%dma_start3A, %dma_start3A_39] : memref<10240x128xf32, #tpu.memory_space<vmem_shared>> -> memref<10240x128xf32, #tpu.memory_space<vmem_shared>>
        tpu.enqueue_indirect_dma source(%arg12 : memref<128x128xf32, #tpu.memory_space<vmem>>) target(%dma_start3A_40 : memref<10240x128xf32, #tpu.memory_space<vmem_shared>>) offsets(%arg14 : memref<128xi32, #tpu.memory_space<vmem>>) semaphore(%run_scoped3A : memref<!tpu.dma_semaphore, #tpu.memory_space<semaphore_mem>>) {add = true}
        %dma_wait3A = arith.constant 0 : i32
        %dma_wait3A_41 = arith.constant 0 : i32
        %dma_wait3A_42 = tpu.memref_slice %arg7[%dma_wait3A, %dma_wait3A_41] : memref<10240x128xf32, #tpu.memory_space<vmem_shared>> -> memref<10240x128xf32, #tpu.memory_space<vmem_shared>>
        tpu.wait_indirect_dma semaphore(%run_scoped3A : memref<!tpu.dma_semaphore, #tpu.memory_space<semaphore_mem>>) src(%arg12 : memref<128x128xf32, #tpu.memory_space<vmem>>) dst(%dma_wait3A_42 : memref<10240x128xf32, #tpu.memory_space<vmem_shared>>)
        tpu.yield
      }) : () -> ()
      %scan3A_38 = arith.constant 0 : i32
      scf.yield %scan3A_38 : i32
    }
    %scan3A_17 = arith.constant 78 : i32
    %add3A_18 = arith.constant 19968 : i32
    %add3A_19 = arith.addi %add3A, %add3A_18 : i32
    "tpu.region"() ({
      %run_scoped3A = tpu.sem_alloc : memref<!tpu.dma_semaphore, #tpu.memory_space<semaphore_mem>>
      %dma_start3A = tpu.memref_slice %arg2[%add3A_19] : memref<640000xi32, #tpu.memory_space<hbm>> -> memref<32xi32, #tpu.memory_space<hbm>>
      %dma_start3A_31 = tpu.memref_slice %arg2[%add3A_19] : memref<640000xi32, #tpu.memory_space<hbm>> -> memref<32xi32, #tpu.memory_space<hbm>>
      tpu.enqueue_dma source(%dma_start3A_31 : memref<32xi32, #tpu.memory_space<hbm>>) target(%arg11 : memref<32xi32, #tpu.memory_space<vmem>>) target_semaphore(%run_scoped3A : memref<!tpu.dma_semaphore, #tpu.memory_space<semaphore_mem>>)
      %dma_wait3A = tpu.memref_slice %arg2[%add3A_19] : memref<640000xi32, #tpu.memory_space<hbm>> -> memref<32xi32, #tpu.memory_space<hbm>>
      %dma_wait3A_32 = tpu.memref_slice %arg2[%add3A_19] : memref<640000xi32, #tpu.memory_space<hbm>> -> memref<32xi32, #tpu.memory_space<hbm>>
      tpu.wait_dma2 semaphore(%run_scoped3A : memref<!tpu.dma_semaphore, #tpu.memory_space<semaphore_mem>>) src(%dma_wait3A_32 : memref<32xi32, #tpu.memory_space<hbm>>) dst(%arg11 : memref<32xi32, #tpu.memory_space<vmem>>)
      tpu.yield
    }) : () -> ()
    "tpu.region"() ({
      %run_scoped3A = tpu.sem_alloc : memref<!tpu.dma_semaphore, #tpu.memory_space<semaphore_mem>>
      %dma_start3A = arith.constant 0 : i32
      %dma_start3A_31 = arith.constant 0 : i32
      %dma_start3A_32 = tpu.memref_slice %arg12[%dma_start3A, %dma_start3A_31] : memref<128x128xf32, #tpu.memory_space<vmem>> -> memref<32x128xf32, #tpu.memory_space<vmem>>
      %dma_start3A_33 = arith.constant 0 : i32
      %dma_start3A_34 = arith.constant 0 : i32
      %dma_start3A_35 = tpu.memref_slice %arg7[%dma_start3A_33, %dma_start3A_34] : memref<10240x128xf32, #tpu.memory_space<vmem_shared>> -> memref<10240x128xf32, #tpu.memory_space<vmem_shared>>
      tpu.enqueue_indirect_dma source(%dma_start3A_32 : memref<32x128xf32, #tpu.memory_space<vmem>>) target(%dma_start3A_35 : memref<10240x128xf32, #tpu.memory_space<vmem_shared>>) offsets(%arg11 : memref<32xi32, #tpu.memory_space<vmem>>) semaphore(%run_scoped3A : memref<!tpu.dma_semaphore, #tpu.memory_space<semaphore_mem>>) {add = true}
      %dma_wait3A = arith.constant 0 : i32
      %dma_wait3A_36 = arith.constant 0 : i32
      %dma_wait3A_37 = tpu.memref_slice %arg12[%dma_wait3A, %dma_wait3A_36] : memref<128x128xf32, #tpu.memory_space<vmem>> -> memref<32x128xf32, #tpu.memory_space<vmem>>
      %dma_wait3A_38 = arith.constant 0 : i32
      %dma_wait3A_39 = arith.constant 0 : i32
      %dma_wait3A_40 = tpu.memref_slice %arg7[%dma_wait3A_38, %dma_wait3A_39] : memref<10240x128xf32, #tpu.memory_space<vmem_shared>> -> memref<10240x128xf32, #tpu.memory_space<vmem_shared>>
      tpu.wait_indirect_dma semaphore(%run_scoped3A : memref<!tpu.dma_semaphore, #tpu.memory_space<semaphore_mem>>) src(%dma_wait3A_37 : memref<32x128xf32, #tpu.memory_space<vmem>>) dst(%dma_wait3A_40 : memref<10240x128xf32, #tpu.memory_space<vmem_shared>>)
      tpu.yield
    }) : () -> ()
    %barrier3A_20 = arith.constant 0 : index
    tpu.barrier barrier_id(%barrier3A_20)
    %mul3A_21 = arith.constant 10240 : i32
    %mul3A_22 = arith.muli %arg0, %mul3A_21 : i32
    %add3A_23 = arith.addi %mul3A_22, %mul3A_0 : i32
    %scan3A_24 = arith.constant 0 : i32
    %scan3A_25 = arith.constant 0 : i32
    %scan3A_26 = arith.constant 5 : i32
    %scan3A_27 = arith.addi %scan3A_25, %scan3A_26 : i32
    %scan3A_28 = arith.constant 1 : i32
    %scan3A_29 = scf.for %scan3A_31 = %scan3A_25 to %scan3A_27 step %scan3A_28 iter_args(%scan3A_32 = %scan3A_24) -> (i32)  : i32 {
      %mul3A_33 = arith.constant 128 : i32
      %mul3A_34 = arith.muli %scan3A_31, %mul3A_33 : i32
      %add3A_35 = arith.addi %mul3A_0, %mul3A_34 : i32
      "tpu.region"() ({
        %run_scoped3A = tpu.sem_alloc : memref<!tpu.dma_semaphore, #tpu.memory_space<semaphore_mem>>
        %dma_start3A_44 = tpu.memref_slice %arg3[%add3A_35] : memref<10240xi32, #tpu.memory_space<hbm>> -> memref<128xi32, #tpu.memory_space<hbm>>
        %dma_start3A_45 = tpu.memref_slice %arg3[%add3A_35] : memref<10240xi32, #tpu.memory_space<hbm>> -> memref<128xi32, #tpu.memory_space<hbm>>
        tpu.enqueue_dma source(%dma_start3A_45 : memref<128xi32, #tpu.memory_space<hbm>>) target(%arg8 : memref<128xi32, #tpu.memory_space<vmem>>) target_semaphore(%run_scoped3A : memref<!tpu.dma_semaphore, #tpu.memory_space<semaphore_mem>>)
        %dma_wait3A_46 = tpu.memref_slice %arg3[%add3A_35] : memref<10240xi32, #tpu.memory_space<hbm>> -> memref<128xi32, #tpu.memory_space<hbm>>
        %dma_wait3A_47 = tpu.memref_slice %arg3[%add3A_35] : memref<10240xi32, #tpu.memory_space<hbm>> -> memref<128xi32, #tpu.memory_space<hbm>>
        tpu.wait_dma2 semaphore(%run_scoped3A : memref<!tpu.dma_semaphore, #tpu.memory_space<semaphore_mem>>) src(%dma_wait3A_47 : memref<128xi32, #tpu.memory_space<hbm>>) dst(%arg8 : memref<128xi32, #tpu.memory_space<vmem>>)
        tpu.yield
      }) : () -> ()
      %dma_start3A = arith.constant 0 : i32
      %dma_start3A_36 = arith.constant 0 : i32
      %dma_start3A_37 = tpu.memref_slice %arg7[%dma_start3A, %dma_start3A_36] : memref<10240x128xf32, #tpu.memory_space<vmem_shared>> -> memref<10240x128xf32, #tpu.memory_space<vmem_shared>>
      tpu.enqueue_indirect_dma source(%dma_start3A_37 : memref<10240x128xf32, #tpu.memory_space<vmem_shared>>) target(%arg12 : memref<128x128xf32, #tpu.memory_space<vmem>>) offsets(%arg8 : memref<128xi32, #tpu.memory_space<vmem>>) semaphore(%arg16 : memref<!tpu.dma_semaphore, #tpu.memory_space<semaphore_mem>>)
      %dma_wait3A = arith.constant 0 : i32
      %dma_wait3A_38 = arith.constant 0 : i32
      %dma_wait3A_39 = tpu.memref_slice %arg7[%dma_wait3A, %dma_wait3A_38] : memref<10240x128xf32, #tpu.memory_space<vmem_shared>> -> memref<10240x128xf32, #tpu.memory_space<vmem_shared>>
      tpu.wait_indirect_dma semaphore(%arg16 : memref<!tpu.dma_semaphore, #tpu.memory_space<semaphore_mem>>) src(%dma_wait3A_39 : memref<10240x128xf32, #tpu.memory_space<vmem_shared>>) dst(%arg12 : memref<128x128xf32, #tpu.memory_space<vmem>>)
      %mul3A_40 = arith.constant 128 : i32
      %mul3A_41 = arith.muli %scan3A_31, %mul3A_40 : i32
      %add3A_42 = arith.addi %add3A_23, %mul3A_41 : i32
      "tpu.region"() ({
        %run_scoped3A = tpu.sem_alloc : memref<!tpu.dma_semaphore, #tpu.memory_space<semaphore_mem>>
        %dma_start3A_44 = arith.constant 0 : i32
        %dma_start3A_45 = tpu.memref_slice %arg6[%add3A_42, %dma_start3A_44] : memref<20480x128xf32, #tpu.memory_space<hbm>> -> memref<128x128xf32, #tpu.memory_space<hbm>>
        %dma_start3A_46 = arith.constant 0 : i32
        %dma_start3A_47 = tpu.memref_slice %arg6[%add3A_42, %dma_start3A_46] : memref<20480x128xf32, #tpu.memory_space<hbm>> -> memref<128x128xf32, #tpu.memory_space<hbm>>
        tpu.enqueue_dma source(%arg12 : memref<128x128xf32, #tpu.memory_space<vmem>>) target(%dma_start3A_47 : memref<128x128xf32, #tpu.memory_space<hbm>>) target_semaphore(%run_scoped3A : memref<!tpu.dma_semaphore, #tpu.memory_space<semaphore_mem>>)
        %dma_wait3A_48 = arith.constant 0 : i32
        %dma_wait3A_49 = tpu.memref_slice %arg6[%add3A_42, %dma_wait3A_48] : memref<20480x128xf32, #tpu.memory_space<hbm>> -> memref<128x128xf32, #tpu.memory_space<hbm>>
        %dma_wait3A_50 = arith.constant 0 : i32
        %dma_wait3A_51 = tpu.memref_slice %arg6[%add3A_42, %dma_wait3A_50] : memref<20480x128xf32, #tpu.memory_space<hbm>> -> memref<128x128xf32, #tpu.memory_space<hbm>>
        tpu.wait_dma2 semaphore(%run_scoped3A : memref<!tpu.dma_semaphore, #tpu.memory_space<semaphore_mem>>) src(%arg12 : memref<128x128xf32, #tpu.memory_space<vmem>>) dst(%dma_wait3A_51 : memref<128x128xf32, #tpu.memory_space<hbm>>)
        tpu.yield
      }) : () -> ()
      %scan3A_43 = arith.constant 0 : i32
      scf.yield %scan3A_43 : i32
    }
    %scan3A_30 = arith.constant 5 : i32
    return
  }
}

#map = affine_map<(d0, d1) -> (0, 0)>
#map1 = affine_map<(d0, d1) -> (0)>
module attributes {stable_mosaic.version = 14 : i64} {
  func.func @_sc_segsum_body(%arg0: i32, %arg1: i32, %arg2: memref<20480x128xf32, #tpu.memory_space<hbm>>, %arg3: memref<640000xi32, #tpu.memory_space<hbm>>, %arg4: memref<640000xi32, #tpu.memory_space<hbm>>, %arg5: memref<10240xi32, #tpu.memory_space<hbm>>, %arg6: memref<128x128xf32, #tpu.memory_space<hbm>>, %arg7: memref<20480x128xf32, #tpu.memory_space<hbm>>, %arg8: memref<10240x128xf32, #tpu.memory_space<vmem_shared>>, %arg9: memref<128xi32, #tpu.memory_space<vmem>>, %arg10: memref<128xi32, #tpu.memory_space<vmem>>, %arg11: memref<32xi32, #tpu.memory_space<vmem>>, %arg12: memref<32xi32, #tpu.memory_space<vmem>>, %arg13: memref<128x128xf32, #tpu.memory_space<vmem>>, %arg14: memref<128xi32, #tpu.memory_space<vmem>>, %arg15: memref<128xi32, #tpu.memory_space<vmem>>, %arg16: memref<128x128xf32, #tpu.memory_space<vmem>>, %arg17: memref<!tpu.dma_semaphore, #tpu.memory_space<semaphore_mem>>, %arg18: memref<!tpu.dma_semaphore, #tpu.memory_space<semaphore_mem>>, %arg19: memref<!tpu.dma_semaphore, #tpu.memory_space<semaphore_mem>>, %arg20: memref<!tpu.dma_semaphore, #tpu.memory_space<semaphore_mem>>, %arg21: memref<!tpu.dma_semaphore, #tpu.memory_space<semaphore_mem>>, %arg22: memref<!tpu.dma_semaphore, #tpu.memory_space<semaphore_mem>>) attributes {dimension_semantics = [#tpu.dimension_semantics<core_parallel>, #tpu.dimension_semantics<subcore_parallel>], iteration_bounds = array<i64: 2, 16>, scalar_prefetch = 0 : i64, scratch_operands = 15 : i64, tpu.core_type = #tpu.core_type<sc_vector_subcore>, window_params = [{transform_indices = #map}, {transform_indices = #map1}, {transform_indices = #map1}, {transform_indices = #map1}, {transform_indices = #map}, {transform_indices = #map}]} {
    "tpu.region"() ({
      %run_scoped3A = tpu.sem_alloc : memref<!tpu.dma_semaphore, #tpu.memory_space<semaphore_mem>>
      tpu.enqueue_dma source(%arg6 : memref<128x128xf32, #tpu.memory_space<hbm>>) target(%arg13 : memref<128x128xf32, #tpu.memory_space<vmem>>) target_semaphore(%run_scoped3A : memref<!tpu.dma_semaphore, #tpu.memory_space<semaphore_mem>>)
      tpu.wait_dma2 semaphore(%run_scoped3A : memref<!tpu.dma_semaphore, #tpu.memory_space<semaphore_mem>>) src(%arg6 : memref<128x128xf32, #tpu.memory_space<hbm>>) dst(%arg13 : memref<128x128xf32, #tpu.memory_space<vmem>>)
      tpu.yield
    }) : () -> ()
    %mul3A = arith.constant 640 : i32
    %mul3A_0 = arith.muli %arg1, %mul3A : i32
    %scan3A = arith.constant 0 : i32
    %scan3A_1 = arith.constant 0 : i32
    %scan3A_2 = arith.constant 5 : i32
    %scan3A_3 = arith.addi %scan3A_1, %scan3A_2 : i32
    %scan3A_4 = arith.constant 1 : i32
    %scan3A_5 = scf.for %scan3A_41 = %scan3A_1 to %scan3A_3 step %scan3A_4 iter_args(%scan3A_42 = %scan3A) -> (i32)  : i32 {
      %mul3A_43 = arith.constant 128 : i32
      %mul3A_44 = arith.muli %scan3A_41, %mul3A_43 : i32
      %add3A_45 = arith.addi %mul3A_0, %mul3A_44 : i32
      "tpu.region"() ({
        %run_scoped3A = tpu.sem_alloc : memref<!tpu.dma_semaphore, #tpu.memory_space<semaphore_mem>>
        %dma_start3A_47 = tpu.memref_slice %arg5[%add3A_45] : memref<10240xi32, #tpu.memory_space<hbm>> -> memref<128xi32, #tpu.memory_space<hbm>>
        %dma_start3A_48 = tpu.memref_slice %arg5[%add3A_45] : memref<10240xi32, #tpu.memory_space<hbm>> -> memref<128xi32, #tpu.memory_space<hbm>>
        tpu.enqueue_dma source(%dma_start3A_48 : memref<128xi32, #tpu.memory_space<hbm>>) target(%arg9 : memref<128xi32, #tpu.memory_space<vmem>>) target_semaphore(%run_scoped3A : memref<!tpu.dma_semaphore, #tpu.memory_space<semaphore_mem>>)
        %dma_wait3A_49 = tpu.memref_slice %arg5[%add3A_45] : memref<10240xi32, #tpu.memory_space<hbm>> -> memref<128xi32, #tpu.memory_space<hbm>>
        %dma_wait3A_50 = tpu.memref_slice %arg5[%add3A_45] : memref<10240xi32, #tpu.memory_space<hbm>> -> memref<128xi32, #tpu.memory_space<hbm>>
        tpu.wait_dma2 semaphore(%run_scoped3A : memref<!tpu.dma_semaphore, #tpu.memory_space<semaphore_mem>>) src(%dma_wait3A_50 : memref<128xi32, #tpu.memory_space<hbm>>) dst(%arg9 : memref<128xi32, #tpu.memory_space<vmem>>)
        tpu.yield
      }) : () -> ()
      "tpu.region"() ({
        %run_scoped3A = tpu.sem_alloc : memref<!tpu.dma_semaphore, #tpu.memory_space<semaphore_mem>>
        %dma_start3A_47 = arith.constant 0 : i32
        %dma_start3A_48 = arith.constant 0 : i32
        %dma_start3A_49 = tpu.memref_slice %arg8[%dma_start3A_47, %dma_start3A_48] : memref<10240x128xf32, #tpu.memory_space<vmem_shared>> -> memref<10240x128xf32, #tpu.memory_space<vmem_shared>>
        tpu.enqueue_indirect_dma source(%arg13 : memref<128x128xf32, #tpu.memory_space<vmem>>) target(%dma_start3A_49 : memref<10240x128xf32, #tpu.memory_space<vmem_shared>>) offsets(%arg9 : memref<128xi32, #tpu.memory_space<vmem>>) semaphore(%run_scoped3A : memref<!tpu.dma_semaphore, #tpu.memory_space<semaphore_mem>>)
        %dma_wait3A_50 = arith.constant 0 : i32
        %dma_wait3A_51 = arith.constant 0 : i32
        %dma_wait3A_52 = tpu.memref_slice %arg8[%dma_wait3A_50, %dma_wait3A_51] : memref<10240x128xf32, #tpu.memory_space<vmem_shared>> -> memref<10240x128xf32, #tpu.memory_space<vmem_shared>>
        tpu.wait_indirect_dma semaphore(%run_scoped3A : memref<!tpu.dma_semaphore, #tpu.memory_space<semaphore_mem>>) src(%arg13 : memref<128x128xf32, #tpu.memory_space<vmem>>) dst(%dma_wait3A_52 : memref<10240x128xf32, #tpu.memory_space<vmem_shared>>)
        tpu.yield
      }) : () -> ()
      %scan3A_46 = arith.constant 0 : i32
      scf.yield %scan3A_46 : i32
    }
    %scan3A_6 = arith.constant 5 : i32
    %barrier3A = arith.constant 0 : index
    tpu.barrier barrier_id(%barrier3A)
    %mul3A_7 = arith.constant 320000 : i32
    %mul3A_8 = arith.muli %arg0, %mul3A_7 : i32
    %mul3A_9 = arith.constant 20000 : i32
    %mul3A_10 = arith.muli %arg1, %mul3A_9 : i32
    %add3A = arith.addi %mul3A_8, %mul3A_10 : i32
    %scan3A_11 = arith.constant 0 : i32
    %scan3A_12 = arith.constant 0 : i32
    %scan3A_13 = arith.constant 78 : i32
    %scan3A_14 = arith.addi %scan3A_12, %scan3A_13 : i32
    %scan3A_15 = arith.constant 1 : i32
    %scan3A_16 = scf.for %scan3A_41 = %scan3A_12 to %scan3A_14 step %scan3A_15 iter_args(%scan3A_42 = %scan3A_11) -> (i32)  : i32 {
      %mul3A_43 = arith.constant 256 : i32
      %mul3A_44 = arith.muli %scan3A_41, %mul3A_43 : i32
      %add3A_45 = arith.addi %add3A, %mul3A_44 : i32
      %dma_start3A_46 = tpu.memref_slice %arg3[%add3A_45] : memref<640000xi32, #tpu.memory_space<hbm>> -> memref<128xi32, #tpu.memory_space<hbm>>
      %dma_start3A_47 = tpu.memref_slice %arg3[%add3A_45] : memref<640000xi32, #tpu.memory_space<hbm>> -> memref<128xi32, #tpu.memory_space<hbm>>
      tpu.enqueue_dma source(%dma_start3A_47 : memref<128xi32, #tpu.memory_space<hbm>>) target(%arg9 : memref<128xi32, #tpu.memory_space<vmem>>) target_semaphore(%arg19 : memref<!tpu.dma_semaphore, #tpu.memory_space<semaphore_mem>>)
      %dma_start3A_48 = tpu.memref_slice %arg4[%add3A_45] : memref<640000xi32, #tpu.memory_space<hbm>> -> memref<128xi32, #tpu.memory_space<hbm>>
      %dma_start3A_49 = tpu.memref_slice %arg4[%add3A_45] : memref<640000xi32, #tpu.memory_space<hbm>> -> memref<128xi32, #tpu.memory_space<hbm>>
      tpu.enqueue_dma source(%dma_start3A_49 : memref<128xi32, #tpu.memory_space<hbm>>) target(%arg10 : memref<128xi32, #tpu.memory_space<vmem>>) target_semaphore(%arg20 : memref<!tpu.dma_semaphore, #tpu.memory_space<semaphore_mem>>)
      %add3A_50 = arith.constant 128 : i32
      %add3A_51 = arith.addi %add3A_45, %add3A_50 : i32
      %dma_start3A_52 = tpu.memref_slice %arg3[%add3A_51] : memref<640000xi32, #tpu.memory_space<hbm>> -> memref<128xi32, #tpu.memory_space<hbm>>
      %dma_start3A_53 = tpu.memref_slice %arg3[%add3A_51] : memref<640000xi32, #tpu.memory_space<hbm>> -> memref<128xi32, #tpu.memory_space<hbm>>
      tpu.enqueue_dma source(%dma_start3A_53 : memref<128xi32, #tpu.memory_space<hbm>>) target(%arg14 : memref<128xi32, #tpu.memory_space<vmem>>) target_semaphore(%arg21 : memref<!tpu.dma_semaphore, #tpu.memory_space<semaphore_mem>>)
      %add3A_54 = arith.constant 128 : i32
      %add3A_55 = arith.addi %add3A_45, %add3A_54 : i32
      %dma_start3A_56 = tpu.memref_slice %arg4[%add3A_55] : memref<640000xi32, #tpu.memory_space<hbm>> -> memref<128xi32, #tpu.memory_space<hbm>>
      %dma_start3A_57 = tpu.memref_slice %arg4[%add3A_55] : memref<640000xi32, #tpu.memory_space<hbm>> -> memref<128xi32, #tpu.memory_space<hbm>>
      tpu.enqueue_dma source(%dma_start3A_57 : memref<128xi32, #tpu.memory_space<hbm>>) target(%arg15 : memref<128xi32, #tpu.memory_space<vmem>>) target_semaphore(%arg22 : memref<!tpu.dma_semaphore, #tpu.memory_space<semaphore_mem>>)
      %dma_wait3A_58 = tpu.memref_slice %arg3[%add3A_45] : memref<640000xi32, #tpu.memory_space<hbm>> -> memref<128xi32, #tpu.memory_space<hbm>>
      %dma_wait3A_59 = tpu.memref_slice %arg3[%add3A_45] : memref<640000xi32, #tpu.memory_space<hbm>> -> memref<128xi32, #tpu.memory_space<hbm>>
      tpu.wait_dma2 semaphore(%arg19 : memref<!tpu.dma_semaphore, #tpu.memory_space<semaphore_mem>>) src(%dma_wait3A_59 : memref<128xi32, #tpu.memory_space<hbm>>) dst(%arg9 : memref<128xi32, #tpu.memory_space<vmem>>)
      %dma_start3A_60 = arith.constant 0 : i32
      %dma_start3A_61 = arith.constant 0 : i32
      %dma_start3A_62 = tpu.memref_slice %arg2[%dma_start3A_60, %dma_start3A_61] : memref<20480x128xf32, #tpu.memory_space<hbm>> -> memref<20480x128xf32, #tpu.memory_space<hbm>>
      tpu.enqueue_indirect_dma source(%dma_start3A_62 : memref<20480x128xf32, #tpu.memory_space<hbm>>) target(%arg13 : memref<128x128xf32, #tpu.memory_space<vmem>>) offsets(%arg9 : memref<128xi32, #tpu.memory_space<vmem>>) semaphore(%arg17 : memref<!tpu.dma_semaphore, #tpu.memory_space<semaphore_mem>>)
      %dma_wait3A_63 = tpu.memref_slice %arg3[%add3A_51] : memref<640000xi32, #tpu.memory_space<hbm>> -> memref<128xi32, #tpu.memory_space<hbm>>
      %dma_wait3A_64 = tpu.memref_slice %arg3[%add3A_51] : memref<640000xi32, #tpu.memory_space<hbm>> -> memref<128xi32, #tpu.memory_space<hbm>>
      tpu.wait_dma2 semaphore(%arg21 : memref<!tpu.dma_semaphore, #tpu.memory_space<semaphore_mem>>) src(%dma_wait3A_64 : memref<128xi32, #tpu.memory_space<hbm>>) dst(%arg14 : memref<128xi32, #tpu.memory_space<vmem>>)
      %dma_start3A_65 = arith.constant 0 : i32
      %dma_start3A_66 = arith.constant 0 : i32
      %dma_start3A_67 = tpu.memref_slice %arg2[%dma_start3A_65, %dma_start3A_66] : memref<20480x128xf32, #tpu.memory_space<hbm>> -> memref<20480x128xf32, #tpu.memory_space<hbm>>
      tpu.enqueue_indirect_dma source(%dma_start3A_67 : memref<20480x128xf32, #tpu.memory_space<hbm>>) target(%arg16 : memref<128x128xf32, #tpu.memory_space<vmem>>) offsets(%arg14 : memref<128xi32, #tpu.memory_space<vmem>>) semaphore(%arg18 : memref<!tpu.dma_semaphore, #tpu.memory_space<semaphore_mem>>)
      %dma_wait3A_68 = tpu.memref_slice %arg4[%add3A_45] : memref<640000xi32, #tpu.memory_space<hbm>> -> memref<128xi32, #tpu.memory_space<hbm>>
      %dma_wait3A_69 = tpu.memref_slice %arg4[%add3A_45] : memref<640000xi32, #tpu.memory_space<hbm>> -> memref<128xi32, #tpu.memory_space<hbm>>
      tpu.wait_dma2 semaphore(%arg20 : memref<!tpu.dma_semaphore, #tpu.memory_space<semaphore_mem>>) src(%dma_wait3A_69 : memref<128xi32, #tpu.memory_space<hbm>>) dst(%arg10 : memref<128xi32, #tpu.memory_space<vmem>>)
      %dma_wait3A_70 = arith.constant 0 : i32
      %dma_wait3A_71 = arith.constant 0 : i32
      %dma_wait3A_72 = tpu.memref_slice %arg2[%dma_wait3A_70, %dma_wait3A_71] : memref<20480x128xf32, #tpu.memory_space<hbm>> -> memref<20480x128xf32, #tpu.memory_space<hbm>>
      tpu.wait_indirect_dma semaphore(%arg17 : memref<!tpu.dma_semaphore, #tpu.memory_space<semaphore_mem>>) src(%dma_wait3A_72 : memref<20480x128xf32, #tpu.memory_space<hbm>>) dst(%arg13 : memref<128x128xf32, #tpu.memory_space<vmem>>)
      "tpu.region"() ({
        %run_scoped3A = tpu.sem_alloc : memref<!tpu.dma_semaphore, #tpu.memory_space<semaphore_mem>>
        %dma_start3A_79 = arith.constant 0 : i32
        %dma_start3A_80 = arith.constant 0 : i32
        %dma_start3A_81 = tpu.memref_slice %arg8[%dma_start3A_79, %dma_start3A_80] : memref<10240x128xf32, #tpu.memory_space<vmem_shared>> -> memref<10240x128xf32, #tpu.memory_space<vmem_shared>>
        tpu.enqueue_indirect_dma source(%arg13 : memref<128x128xf32, #tpu.memory_space<vmem>>) target(%dma_start3A_81 : memref<10240x128xf32, #tpu.memory_space<vmem_shared>>) offsets(%arg10 : memref<128xi32, #tpu.memory_space<vmem>>) semaphore(%run_scoped3A : memref<!tpu.dma_semaphore, #tpu.memory_space<semaphore_mem>>) {add = true}
        %dma_wait3A_82 = arith.constant 0 : i32
        %dma_wait3A_83 = arith.constant 0 : i32
        %dma_wait3A_84 = tpu.memref_slice %arg8[%dma_wait3A_82, %dma_wait3A_83] : memref<10240x128xf32, #tpu.memory_space<vmem_shared>> -> memref<10240x128xf32, #tpu.memory_space<vmem_shared>>
        tpu.wait_indirect_dma semaphore(%run_scoped3A : memref<!tpu.dma_semaphore, #tpu.memory_space<semaphore_mem>>) src(%arg13 : memref<128x128xf32, #tpu.memory_space<vmem>>) dst(%dma_wait3A_84 : memref<10240x128xf32, #tpu.memory_space<vmem_shared>>)
        tpu.yield
      }) : () -> ()
      %dma_wait3A_73 = tpu.memref_slice %arg4[%add3A_55] : memref<640000xi32, #tpu.memory_space<hbm>> -> memref<128xi32, #tpu.memory_space<hbm>>
      %dma_wait3A_74 = tpu.memref_slice %arg4[%add3A_55] : memref<640000xi32, #tpu.memory_space<hbm>> -> memref<128xi32, #tpu.memory_space<hbm>>
      tpu.wait_dma2 semaphore(%arg22 : memref<!tpu.dma_semaphore, #tpu.memory_space<semaphore_mem>>) src(%dma_wait3A_74 : memref<128xi32, #tpu.memory_space<hbm>>) dst(%arg15 : memref<128xi32, #tpu.memory_space<vmem>>)
      %dma_wait3A_75 = arith.constant 0 : i32
      %dma_wait3A_76 = arith.constant 0 : i32
      %dma_wait3A_77 = tpu.memref_slice %arg2[%dma_wait3A_75, %dma_wait3A_76] : memref<20480x128xf32, #tpu.memory_space<hbm>> -> memref<20480x128xf32, #tpu.memory_space<hbm>>
      tpu.wait_indirect_dma semaphore(%arg18 : memref<!tpu.dma_semaphore, #tpu.memory_space<semaphore_mem>>) src(%dma_wait3A_77 : memref<20480x128xf32, #tpu.memory_space<hbm>>) dst(%arg16 : memref<128x128xf32, #tpu.memory_space<vmem>>)
      "tpu.region"() ({
        %run_scoped3A = tpu.sem_alloc : memref<!tpu.dma_semaphore, #tpu.memory_space<semaphore_mem>>
        %dma_start3A_79 = arith.constant 0 : i32
        %dma_start3A_80 = arith.constant 0 : i32
        %dma_start3A_81 = tpu.memref_slice %arg8[%dma_start3A_79, %dma_start3A_80] : memref<10240x128xf32, #tpu.memory_space<vmem_shared>> -> memref<10240x128xf32, #tpu.memory_space<vmem_shared>>
        tpu.enqueue_indirect_dma source(%arg16 : memref<128x128xf32, #tpu.memory_space<vmem>>) target(%dma_start3A_81 : memref<10240x128xf32, #tpu.memory_space<vmem_shared>>) offsets(%arg15 : memref<128xi32, #tpu.memory_space<vmem>>) semaphore(%run_scoped3A : memref<!tpu.dma_semaphore, #tpu.memory_space<semaphore_mem>>) {add = true}
        %dma_wait3A_82 = arith.constant 0 : i32
        %dma_wait3A_83 = arith.constant 0 : i32
        %dma_wait3A_84 = tpu.memref_slice %arg8[%dma_wait3A_82, %dma_wait3A_83] : memref<10240x128xf32, #tpu.memory_space<vmem_shared>> -> memref<10240x128xf32, #tpu.memory_space<vmem_shared>>
        tpu.wait_indirect_dma semaphore(%run_scoped3A : memref<!tpu.dma_semaphore, #tpu.memory_space<semaphore_mem>>) src(%arg16 : memref<128x128xf32, #tpu.memory_space<vmem>>) dst(%dma_wait3A_84 : memref<10240x128xf32, #tpu.memory_space<vmem_shared>>)
        tpu.yield
      }) : () -> ()
      %scan3A_78 = arith.constant 0 : i32
      scf.yield %scan3A_78 : i32
    }
    %scan3A_17 = arith.constant 78 : i32
    %add3A_18 = arith.constant 19968 : i32
    %add3A_19 = arith.addi %add3A, %add3A_18 : i32
    "tpu.region"() ({
      %run_scoped3A = tpu.sem_alloc : memref<!tpu.dma_semaphore, #tpu.memory_space<semaphore_mem>>
      %dma_start3A_41 = tpu.memref_slice %arg3[%add3A_19] : memref<640000xi32, #tpu.memory_space<hbm>> -> memref<32xi32, #tpu.memory_space<hbm>>
      %dma_start3A_42 = tpu.memref_slice %arg3[%add3A_19] : memref<640000xi32, #tpu.memory_space<hbm>> -> memref<32xi32, #tpu.memory_space<hbm>>
      tpu.enqueue_dma source(%dma_start3A_42 : memref<32xi32, #tpu.memory_space<hbm>>) target(%arg11 : memref<32xi32, #tpu.memory_space<vmem>>) target_semaphore(%run_scoped3A : memref<!tpu.dma_semaphore, #tpu.memory_space<semaphore_mem>>)
      %dma_wait3A_43 = tpu.memref_slice %arg3[%add3A_19] : memref<640000xi32, #tpu.memory_space<hbm>> -> memref<32xi32, #tpu.memory_space<hbm>>
      %dma_wait3A_44 = tpu.memref_slice %arg3[%add3A_19] : memref<640000xi32, #tpu.memory_space<hbm>> -> memref<32xi32, #tpu.memory_space<hbm>>
      tpu.wait_dma2 semaphore(%run_scoped3A : memref<!tpu.dma_semaphore, #tpu.memory_space<semaphore_mem>>) src(%dma_wait3A_44 : memref<32xi32, #tpu.memory_space<hbm>>) dst(%arg11 : memref<32xi32, #tpu.memory_space<vmem>>)
      tpu.yield
    }) : () -> ()
    "tpu.region"() ({
      %run_scoped3A = tpu.sem_alloc : memref<!tpu.dma_semaphore, #tpu.memory_space<semaphore_mem>>
      %dma_start3A_41 = tpu.memref_slice %arg4[%add3A_19] : memref<640000xi32, #tpu.memory_space<hbm>> -> memref<32xi32, #tpu.memory_space<hbm>>
      %dma_start3A_42 = tpu.memref_slice %arg4[%add3A_19] : memref<640000xi32, #tpu.memory_space<hbm>> -> memref<32xi32, #tpu.memory_space<hbm>>
      tpu.enqueue_dma source(%dma_start3A_42 : memref<32xi32, #tpu.memory_space<hbm>>) target(%arg12 : memref<32xi32, #tpu.memory_space<vmem>>) target_semaphore(%run_scoped3A : memref<!tpu.dma_semaphore, #tpu.memory_space<semaphore_mem>>)
      %dma_wait3A_43 = tpu.memref_slice %arg4[%add3A_19] : memref<640000xi32, #tpu.memory_space<hbm>> -> memref<32xi32, #tpu.memory_space<hbm>>
      %dma_wait3A_44 = tpu.memref_slice %arg4[%add3A_19] : memref<640000xi32, #tpu.memory_space<hbm>> -> memref<32xi32, #tpu.memory_space<hbm>>
      tpu.wait_dma2 semaphore(%run_scoped3A : memref<!tpu.dma_semaphore, #tpu.memory_space<semaphore_mem>>) src(%dma_wait3A_44 : memref<32xi32, #tpu.memory_space<hbm>>) dst(%arg12 : memref<32xi32, #tpu.memory_space<vmem>>)
      tpu.yield
    }) : () -> ()
    %dma_start3A = arith.constant 0 : i32
    %dma_start3A_20 = arith.constant 0 : i32
    %dma_start3A_21 = tpu.memref_slice %arg13[%dma_start3A, %dma_start3A_20] : memref<128x128xf32, #tpu.memory_space<vmem>> -> memref<32x128xf32, #tpu.memory_space<vmem>>
    %dma_start3A_22 = arith.constant 0 : i32
    %dma_start3A_23 = arith.constant 0 : i32
    %dma_start3A_24 = tpu.memref_slice %arg2[%dma_start3A_22, %dma_start3A_23] : memref<20480x128xf32, #tpu.memory_space<hbm>> -> memref<20480x128xf32, #tpu.memory_space<hbm>>
    tpu.enqueue_indirect_dma source(%dma_start3A_24 : memref<20480x128xf32, #tpu.memory_space<hbm>>) target(%dma_start3A_21 : memref<32x128xf32, #tpu.memory_space<vmem>>) offsets(%arg11 : memref<32xi32, #tpu.memory_space<vmem>>) semaphore(%arg17 : memref<!tpu.dma_semaphore, #tpu.memory_space<semaphore_mem>>)
    %dma_wait3A = arith.constant 0 : i32
    %dma_wait3A_25 = arith.constant 0 : i32
    %dma_wait3A_26 = tpu.memref_slice %arg13[%dma_wait3A, %dma_wait3A_25] : memref<128x128xf32, #tpu.memory_space<vmem>> -> memref<32x128xf32, #tpu.memory_space<vmem>>
    %dma_wait3A_27 = arith.constant 0 : i32
    %dma_wait3A_28 = arith.constant 0 : i32
    %dma_wait3A_29 = tpu.memref_slice %arg2[%dma_wait3A_27, %dma_wait3A_28] : memref<20480x128xf32, #tpu.memory_space<hbm>> -> memref<20480x128xf32, #tpu.memory_space<hbm>>
    tpu.wait_indirect_dma semaphore(%arg17 : memref<!tpu.dma_semaphore, #tpu.memory_space<semaphore_mem>>) src(%dma_wait3A_29 : memref<20480x128xf32, #tpu.memory_space<hbm>>) dst(%dma_wait3A_26 : memref<32x128xf32, #tpu.memory_space<vmem>>)
    "tpu.region"() ({
      %run_scoped3A = tpu.sem_alloc : memref<!tpu.dma_semaphore, #tpu.memory_space<semaphore_mem>>
      %dma_start3A_41 = arith.constant 0 : i32
      %dma_start3A_42 = arith.constant 0 : i32
      %dma_start3A_43 = tpu.memref_slice %arg13[%dma_start3A_41, %dma_start3A_42] : memref<128x128xf32, #tpu.memory_space<vmem>> -> memref<32x128xf32, #tpu.memory_space<vmem>>
      %dma_start3A_44 = arith.constant 0 : i32
      %dma_start3A_45 = arith.constant 0 : i32
      %dma_start3A_46 = tpu.memref_slice %arg8[%dma_start3A_44, %dma_start3A_45] : memref<10240x128xf32, #tpu.memory_space<vmem_shared>> -> memref<10240x128xf32, #tpu.memory_space<vmem_shared>>
      tpu.enqueue_indirect_dma source(%dma_start3A_43 : memref<32x128xf32, #tpu.memory_space<vmem>>) target(%dma_start3A_46 : memref<10240x128xf32, #tpu.memory_space<vmem_shared>>) offsets(%arg12 : memref<32xi32, #tpu.memory_space<vmem>>) semaphore(%run_scoped3A : memref<!tpu.dma_semaphore, #tpu.memory_space<semaphore_mem>>) {add = true}
      %dma_wait3A_47 = arith.constant 0 : i32
      %dma_wait3A_48 = arith.constant 0 : i32
      %dma_wait3A_49 = tpu.memref_slice %arg13[%dma_wait3A_47, %dma_wait3A_48] : memref<128x128xf32, #tpu.memory_space<vmem>> -> memref<32x128xf32, #tpu.memory_space<vmem>>
      %dma_wait3A_50 = arith.constant 0 : i32
      %dma_wait3A_51 = arith.constant 0 : i32
      %dma_wait3A_52 = tpu.memref_slice %arg8[%dma_wait3A_50, %dma_wait3A_51] : memref<10240x128xf32, #tpu.memory_space<vmem_shared>> -> memref<10240x128xf32, #tpu.memory_space<vmem_shared>>
      tpu.wait_indirect_dma semaphore(%run_scoped3A : memref<!tpu.dma_semaphore, #tpu.memory_space<semaphore_mem>>) src(%dma_wait3A_49 : memref<32x128xf32, #tpu.memory_space<vmem>>) dst(%dma_wait3A_52 : memref<10240x128xf32, #tpu.memory_space<vmem_shared>>)
      tpu.yield
    }) : () -> ()
    %barrier3A_30 = arith.constant 0 : index
    tpu.barrier barrier_id(%barrier3A_30)
    %mul3A_31 = arith.constant 10240 : i32
    %mul3A_32 = arith.muli %arg0, %mul3A_31 : i32
    %add3A_33 = arith.addi %mul3A_32, %mul3A_0 : i32
    %scan3A_34 = arith.constant 0 : i32
    %scan3A_35 = arith.constant 0 : i32
    %scan3A_36 = arith.constant 5 : i32
    %scan3A_37 = arith.addi %scan3A_35, %scan3A_36 : i32
    %scan3A_38 = arith.constant 1 : i32
    %scan3A_39 = scf.for %scan3A_41 = %scan3A_35 to %scan3A_37 step %scan3A_38 iter_args(%scan3A_42 = %scan3A_34) -> (i32)  : i32 {
      %mul3A_43 = arith.constant 128 : i32
      %mul3A_44 = arith.muli %scan3A_41, %mul3A_43 : i32
      %add3A_45 = arith.addi %mul3A_0, %mul3A_44 : i32
      "tpu.region"() ({
        %run_scoped3A = tpu.sem_alloc : memref<!tpu.dma_semaphore, #tpu.memory_space<semaphore_mem>>
        %dma_start3A_56 = tpu.memref_slice %arg5[%add3A_45] : memref<10240xi32, #tpu.memory_space<hbm>> -> memref<128xi32, #tpu.memory_space<hbm>>
        %dma_start3A_57 = tpu.memref_slice %arg5[%add3A_45] : memref<10240xi32, #tpu.memory_space<hbm>> -> memref<128xi32, #tpu.memory_space<hbm>>
        tpu.enqueue_dma source(%dma_start3A_57 : memref<128xi32, #tpu.memory_space<hbm>>) target(%arg9 : memref<128xi32, #tpu.memory_space<vmem>>) target_semaphore(%run_scoped3A : memref<!tpu.dma_semaphore, #tpu.memory_space<semaphore_mem>>)
        %dma_wait3A_58 = tpu.memref_slice %arg5[%add3A_45] : memref<10240xi32, #tpu.memory_space<hbm>> -> memref<128xi32, #tpu.memory_space<hbm>>
        %dma_wait3A_59 = tpu.memref_slice %arg5[%add3A_45] : memref<10240xi32, #tpu.memory_space<hbm>> -> memref<128xi32, #tpu.memory_space<hbm>>
        tpu.wait_dma2 semaphore(%run_scoped3A : memref<!tpu.dma_semaphore, #tpu.memory_space<semaphore_mem>>) src(%dma_wait3A_59 : memref<128xi32, #tpu.memory_space<hbm>>) dst(%arg9 : memref<128xi32, #tpu.memory_space<vmem>>)
        tpu.yield
      }) : () -> ()
      %dma_start3A_46 = arith.constant 0 : i32
      %dma_start3A_47 = arith.constant 0 : i32
      %dma_start3A_48 = tpu.memref_slice %arg8[%dma_start3A_46, %dma_start3A_47] : memref<10240x128xf32, #tpu.memory_space<vmem_shared>> -> memref<10240x128xf32, #tpu.memory_space<vmem_shared>>
      tpu.enqueue_indirect_dma source(%dma_start3A_48 : memref<10240x128xf32, #tpu.memory_space<vmem_shared>>) target(%arg13 : memref<128x128xf32, #tpu.memory_space<vmem>>) offsets(%arg9 : memref<128xi32, #tpu.memory_space<vmem>>) semaphore(%arg17 : memref<!tpu.dma_semaphore, #tpu.memory_space<semaphore_mem>>)
      %dma_wait3A_49 = arith.constant 0 : i32
      %dma_wait3A_50 = arith.constant 0 : i32
      %dma_wait3A_51 = tpu.memref_slice %arg8[%dma_wait3A_49, %dma_wait3A_50] : memref<10240x128xf32, #tpu.memory_space<vmem_shared>> -> memref<10240x128xf32, #tpu.memory_space<vmem_shared>>
      tpu.wait_indirect_dma semaphore(%arg17 : memref<!tpu.dma_semaphore, #tpu.memory_space<semaphore_mem>>) src(%dma_wait3A_51 : memref<10240x128xf32, #tpu.memory_space<vmem_shared>>) dst(%arg13 : memref<128x128xf32, #tpu.memory_space<vmem>>)
      %mul3A_52 = arith.constant 128 : i32
      %mul3A_53 = arith.muli %scan3A_41, %mul3A_52 : i32
      %add3A_54 = arith.addi %add3A_33, %mul3A_53 : i32
      "tpu.region"() ({
        %run_scoped3A = tpu.sem_alloc : memref<!tpu.dma_semaphore, #tpu.memory_space<semaphore_mem>>
        %dma_start3A_56 = arith.constant 0 : i32
        %dma_start3A_57 = tpu.memref_slice %arg7[%add3A_54, %dma_start3A_56] : memref<20480x128xf32, #tpu.memory_space<hbm>> -> memref<128x128xf32, #tpu.memory_space<hbm>>
        %dma_start3A_58 = arith.constant 0 : i32
        %dma_start3A_59 = tpu.memref_slice %arg7[%add3A_54, %dma_start3A_58] : memref<20480x128xf32, #tpu.memory_space<hbm>> -> memref<128x128xf32, #tpu.memory_space<hbm>>
        tpu.enqueue_dma source(%arg13 : memref<128x128xf32, #tpu.memory_space<vmem>>) target(%dma_start3A_59 : memref<128x128xf32, #tpu.memory_space<hbm>>) target_semaphore(%run_scoped3A : memref<!tpu.dma_semaphore, #tpu.memory_space<semaphore_mem>>)
        %dma_wait3A_60 = arith.constant 0 : i32
        %dma_wait3A_61 = tpu.memref_slice %arg7[%add3A_54, %dma_wait3A_60] : memref<20480x128xf32, #tpu.memory_space<hbm>> -> memref<128x128xf32, #tpu.memory_space<hbm>>
        %dma_wait3A_62 = arith.constant 0 : i32
        %dma_wait3A_63 = tpu.memref_slice %arg7[%add3A_54, %dma_wait3A_62] : memref<20480x128xf32, #tpu.memory_space<hbm>> -> memref<128x128xf32, #tpu.memory_space<hbm>>
        tpu.wait_dma2 semaphore(%run_scoped3A : memref<!tpu.dma_semaphore, #tpu.memory_space<semaphore_mem>>) src(%arg13 : memref<128x128xf32, #tpu.memory_space<vmem>>) dst(%dma_wait3A_63 : memref<128x128xf32, #tpu.memory_space<hbm>>)
        tpu.yield
      }) : () -> ()
      %scan3A_55 = arith.constant 0 : i32
      scf.yield %scan3A_55 : i32
    }
    %scan3A_40 = arith.constant 5 : i32
    return
  }
}

#map = affine_map<(d0, d1) -> (0, 0)>
#map1 = affine_map<(d0, d1) -> (0)>
module attributes {stable_mosaic.version = 14 : i64} {
  func.func @_sc_segsum_body(%arg0: i32, %arg1: i32, %arg2: memref<20480x128xf32, #tpu.memory_space<hbm>>, %arg3: memref<640000xi32, #tpu.memory_space<hbm>>, %arg4: memref<640000xi32, #tpu.memory_space<hbm>>, %arg5: memref<10240xi32, #tpu.memory_space<hbm>>, %arg6: memref<128x128xf32, #tpu.memory_space<hbm>>, %arg7: memref<20480x128xf32, #tpu.memory_space<hbm>>, %arg8: memref<10240x128xf32, #tpu.memory_space<vmem_shared>>, %arg9: memref<128xi32, #tpu.memory_space<vmem>>, %arg10: memref<128xi32, #tpu.memory_space<vmem>>, %arg11: memref<32xi32, #tpu.memory_space<vmem>>, %arg12: memref<32xi32, #tpu.memory_space<vmem>>, %arg13: memref<128x128xf32, #tpu.memory_space<vmem>>, %arg14: memref<128xi32, #tpu.memory_space<vmem>>, %arg15: memref<128xi32, #tpu.memory_space<vmem>>, %arg16: memref<128x128xf32, #tpu.memory_space<vmem>>, %arg17: memref<!tpu.dma_semaphore, #tpu.memory_space<semaphore_mem>>, %arg18: memref<!tpu.dma_semaphore, #tpu.memory_space<semaphore_mem>>, %arg19: memref<!tpu.dma_semaphore, #tpu.memory_space<semaphore_mem>>, %arg20: memref<!tpu.dma_semaphore, #tpu.memory_space<semaphore_mem>>, %arg21: memref<!tpu.dma_semaphore, #tpu.memory_space<semaphore_mem>>, %arg22: memref<!tpu.dma_semaphore, #tpu.memory_space<semaphore_mem>>) attributes {dimension_semantics = [#tpu.dimension_semantics<core_parallel>, #tpu.dimension_semantics<subcore_parallel>], iteration_bounds = array<i64: 2, 16>, scalar_prefetch = 0 : i64, scratch_operands = 15 : i64, tpu.core_type = #tpu.core_type<sc_vector_subcore>, window_params = [{transform_indices = #map}, {transform_indices = #map1}, {transform_indices = #map1}, {transform_indices = #map1}, {transform_indices = #map}, {transform_indices = #map}]} {
    "tpu.region"() ({
      %run_scoped3A = tpu.sem_alloc : memref<!tpu.dma_semaphore, #tpu.memory_space<semaphore_mem>>
      tpu.enqueue_dma source(%arg6 : memref<128x128xf32, #tpu.memory_space<hbm>>) target(%arg13 : memref<128x128xf32, #tpu.memory_space<vmem>>) target_semaphore(%run_scoped3A : memref<!tpu.dma_semaphore, #tpu.memory_space<semaphore_mem>>)
      tpu.wait_dma2 semaphore(%run_scoped3A : memref<!tpu.dma_semaphore, #tpu.memory_space<semaphore_mem>>) src(%arg6 : memref<128x128xf32, #tpu.memory_space<hbm>>) dst(%arg13 : memref<128x128xf32, #tpu.memory_space<vmem>>)
      tpu.yield
    }) : () -> ()
    %mul3A = arith.constant 640 : i32
    %mul3A_0 = arith.muli %arg1, %mul3A : i32
    %scan3A = arith.constant 0 : i32
    %scan3A_1 = arith.constant 0 : i32
    %scan3A_2 = arith.constant 5 : i32
    %scan3A_3 = arith.addi %scan3A_1, %scan3A_2 : i32
    %scan3A_4 = arith.constant 1 : i32
    %scan3A_5 = scf.for %scan3A_41 = %scan3A_1 to %scan3A_3 step %scan3A_4 iter_args(%scan3A_42 = %scan3A) -> (i32)  : i32 {
      %mul3A_43 = arith.constant 128 : i32
      %mul3A_44 = arith.muli %scan3A_41, %mul3A_43 : i32
      %add3A_45 = arith.addi %mul3A_0, %mul3A_44 : i32
      "tpu.region"() ({
        %run_scoped3A = tpu.sem_alloc : memref<!tpu.dma_semaphore, #tpu.memory_space<semaphore_mem>>
        %dma_start3A_47 = tpu.memref_slice %arg5[%add3A_45] : memref<10240xi32, #tpu.memory_space<hbm>> -> memref<128xi32, #tpu.memory_space<hbm>>
        %dma_start3A_48 = tpu.memref_slice %arg5[%add3A_45] : memref<10240xi32, #tpu.memory_space<hbm>> -> memref<128xi32, #tpu.memory_space<hbm>>
        tpu.enqueue_dma source(%dma_start3A_48 : memref<128xi32, #tpu.memory_space<hbm>>) target(%arg9 : memref<128xi32, #tpu.memory_space<vmem>>) target_semaphore(%run_scoped3A : memref<!tpu.dma_semaphore, #tpu.memory_space<semaphore_mem>>)
        %dma_wait3A_49 = tpu.memref_slice %arg5[%add3A_45] : memref<10240xi32, #tpu.memory_space<hbm>> -> memref<128xi32, #tpu.memory_space<hbm>>
        %dma_wait3A_50 = tpu.memref_slice %arg5[%add3A_45] : memref<10240xi32, #tpu.memory_space<hbm>> -> memref<128xi32, #tpu.memory_space<hbm>>
        tpu.wait_dma2 semaphore(%run_scoped3A : memref<!tpu.dma_semaphore, #tpu.memory_space<semaphore_mem>>) src(%dma_wait3A_50 : memref<128xi32, #tpu.memory_space<hbm>>) dst(%arg9 : memref<128xi32, #tpu.memory_space<vmem>>)
        tpu.yield
      }) : () -> ()
      "tpu.region"() ({
        %run_scoped3A = tpu.sem_alloc : memref<!tpu.dma_semaphore, #tpu.memory_space<semaphore_mem>>
        %dma_start3A_47 = arith.constant 0 : i32
        %dma_start3A_48 = arith.constant 0 : i32
        %dma_start3A_49 = tpu.memref_slice %arg8[%dma_start3A_47, %dma_start3A_48] : memref<10240x128xf32, #tpu.memory_space<vmem_shared>> -> memref<10240x128xf32, #tpu.memory_space<vmem_shared>>
        tpu.enqueue_indirect_dma source(%arg13 : memref<128x128xf32, #tpu.memory_space<vmem>>) target(%dma_start3A_49 : memref<10240x128xf32, #tpu.memory_space<vmem_shared>>) offsets(%arg9 : memref<128xi32, #tpu.memory_space<vmem>>) semaphore(%run_scoped3A : memref<!tpu.dma_semaphore, #tpu.memory_space<semaphore_mem>>)
        %dma_wait3A_50 = arith.constant 0 : i32
        %dma_wait3A_51 = arith.constant 0 : i32
        %dma_wait3A_52 = tpu.memref_slice %arg8[%dma_wait3A_50, %dma_wait3A_51] : memref<10240x128xf32, #tpu.memory_space<vmem_shared>> -> memref<10240x128xf32, #tpu.memory_space<vmem_shared>>
        tpu.wait_indirect_dma semaphore(%run_scoped3A : memref<!tpu.dma_semaphore, #tpu.memory_space<semaphore_mem>>) src(%arg13 : memref<128x128xf32, #tpu.memory_space<vmem>>) dst(%dma_wait3A_52 : memref<10240x128xf32, #tpu.memory_space<vmem_shared>>)
        tpu.yield
      }) : () -> ()
      %scan3A_46 = arith.constant 0 : i32
      scf.yield %scan3A_46 : i32
    }
    %scan3A_6 = arith.constant 5 : i32
    %barrier3A = arith.constant 0 : index
    tpu.barrier barrier_id(%barrier3A)
    %mul3A_7 = arith.constant 320000 : i32
    %mul3A_8 = arith.muli %arg0, %mul3A_7 : i32
    %mul3A_9 = arith.constant 20000 : i32
    %mul3A_10 = arith.muli %arg1, %mul3A_9 : i32
    %add3A = arith.addi %mul3A_8, %mul3A_10 : i32
    %scan3A_11 = arith.constant 0 : i32
    %scan3A_12 = arith.constant 0 : i32
    %scan3A_13 = arith.constant 78 : i32
    %scan3A_14 = arith.addi %scan3A_12, %scan3A_13 : i32
    %scan3A_15 = arith.constant 1 : i32
    %scan3A_16 = scf.for %scan3A_41 = %scan3A_12 to %scan3A_14 step %scan3A_15 iter_args(%scan3A_42 = %scan3A_11) -> (i32)  : i32 {
      %mul3A_43 = arith.constant 256 : i32
      %mul3A_44 = arith.muli %scan3A_41, %mul3A_43 : i32
      %add3A_45 = arith.addi %add3A, %mul3A_44 : i32
      %dma_start3A_46 = tpu.memref_slice %arg3[%add3A_45] : memref<640000xi32, #tpu.memory_space<hbm>> -> memref<128xi32, #tpu.memory_space<hbm>>
      %dma_start3A_47 = tpu.memref_slice %arg3[%add3A_45] : memref<640000xi32, #tpu.memory_space<hbm>> -> memref<128xi32, #tpu.memory_space<hbm>>
      tpu.enqueue_dma source(%dma_start3A_47 : memref<128xi32, #tpu.memory_space<hbm>>) target(%arg9 : memref<128xi32, #tpu.memory_space<vmem>>) target_semaphore(%arg19 : memref<!tpu.dma_semaphore, #tpu.memory_space<semaphore_mem>>)
      %dma_start3A_48 = tpu.memref_slice %arg4[%add3A_45] : memref<640000xi32, #tpu.memory_space<hbm>> -> memref<128xi32, #tpu.memory_space<hbm>>
      %dma_start3A_49 = tpu.memref_slice %arg4[%add3A_45] : memref<640000xi32, #tpu.memory_space<hbm>> -> memref<128xi32, #tpu.memory_space<hbm>>
      tpu.enqueue_dma source(%dma_start3A_49 : memref<128xi32, #tpu.memory_space<hbm>>) target(%arg10 : memref<128xi32, #tpu.memory_space<vmem>>) target_semaphore(%arg20 : memref<!tpu.dma_semaphore, #tpu.memory_space<semaphore_mem>>)
      %add3A_50 = arith.constant 128 : i32
      %add3A_51 = arith.addi %add3A_45, %add3A_50 : i32
      %dma_start3A_52 = tpu.memref_slice %arg3[%add3A_51] : memref<640000xi32, #tpu.memory_space<hbm>> -> memref<128xi32, #tpu.memory_space<hbm>>
      %dma_start3A_53 = tpu.memref_slice %arg3[%add3A_51] : memref<640000xi32, #tpu.memory_space<hbm>> -> memref<128xi32, #tpu.memory_space<hbm>>
      tpu.enqueue_dma source(%dma_start3A_53 : memref<128xi32, #tpu.memory_space<hbm>>) target(%arg14 : memref<128xi32, #tpu.memory_space<vmem>>) target_semaphore(%arg21 : memref<!tpu.dma_semaphore, #tpu.memory_space<semaphore_mem>>)
      %add3A_54 = arith.constant 128 : i32
      %add3A_55 = arith.addi %add3A_45, %add3A_54 : i32
      %dma_start3A_56 = tpu.memref_slice %arg4[%add3A_55] : memref<640000xi32, #tpu.memory_space<hbm>> -> memref<128xi32, #tpu.memory_space<hbm>>
      %dma_start3A_57 = tpu.memref_slice %arg4[%add3A_55] : memref<640000xi32, #tpu.memory_space<hbm>> -> memref<128xi32, #tpu.memory_space<hbm>>
      tpu.enqueue_dma source(%dma_start3A_57 : memref<128xi32, #tpu.memory_space<hbm>>) target(%arg15 : memref<128xi32, #tpu.memory_space<vmem>>) target_semaphore(%arg22 : memref<!tpu.dma_semaphore, #tpu.memory_space<semaphore_mem>>)
      %dma_wait3A_58 = tpu.memref_slice %arg3[%add3A_45] : memref<640000xi32, #tpu.memory_space<hbm>> -> memref<128xi32, #tpu.memory_space<hbm>>
      %dma_wait3A_59 = tpu.memref_slice %arg3[%add3A_45] : memref<640000xi32, #tpu.memory_space<hbm>> -> memref<128xi32, #tpu.memory_space<hbm>>
      tpu.wait_dma2 semaphore(%arg19 : memref<!tpu.dma_semaphore, #tpu.memory_space<semaphore_mem>>) src(%dma_wait3A_59 : memref<128xi32, #tpu.memory_space<hbm>>) dst(%arg9 : memref<128xi32, #tpu.memory_space<vmem>>)
      %dma_start3A_60 = arith.constant 0 : i32
      %dma_start3A_61 = arith.constant 0 : i32
      %dma_start3A_62 = tpu.memref_slice %arg2[%dma_start3A_60, %dma_start3A_61] : memref<20480x128xf32, #tpu.memory_space<hbm>> -> memref<20480x128xf32, #tpu.memory_space<hbm>>
      tpu.enqueue_indirect_dma source(%dma_start3A_62 : memref<20480x128xf32, #tpu.memory_space<hbm>>) target(%arg13 : memref<128x128xf32, #tpu.memory_space<vmem>>) offsets(%arg9 : memref<128xi32, #tpu.memory_space<vmem>>) semaphore(%arg17 : memref<!tpu.dma_semaphore, #tpu.memory_space<semaphore_mem>>)
      %dma_wait3A_63 = tpu.memref_slice %arg3[%add3A_51] : memref<640000xi32, #tpu.memory_space<hbm>> -> memref<128xi32, #tpu.memory_space<hbm>>
      %dma_wait3A_64 = tpu.memref_slice %arg3[%add3A_51] : memref<640000xi32, #tpu.memory_space<hbm>> -> memref<128xi32, #tpu.memory_space<hbm>>
      tpu.wait_dma2 semaphore(%arg21 : memref<!tpu.dma_semaphore, #tpu.memory_space<semaphore_mem>>) src(%dma_wait3A_64 : memref<128xi32, #tpu.memory_space<hbm>>) dst(%arg14 : memref<128xi32, #tpu.memory_space<vmem>>)
      %dma_start3A_65 = arith.constant 0 : i32
      %dma_start3A_66 = arith.constant 0 : i32
      %dma_start3A_67 = tpu.memref_slice %arg2[%dma_start3A_65, %dma_start3A_66] : memref<20480x128xf32, #tpu.memory_space<hbm>> -> memref<20480x128xf32, #tpu.memory_space<hbm>>
      tpu.enqueue_indirect_dma source(%dma_start3A_67 : memref<20480x128xf32, #tpu.memory_space<hbm>>) target(%arg16 : memref<128x128xf32, #tpu.memory_space<vmem>>) offsets(%arg14 : memref<128xi32, #tpu.memory_space<vmem>>) semaphore(%arg18 : memref<!tpu.dma_semaphore, #tpu.memory_space<semaphore_mem>>)
      %dma_wait3A_68 = tpu.memref_slice %arg4[%add3A_45] : memref<640000xi32, #tpu.memory_space<hbm>> -> memref<128xi32, #tpu.memory_space<hbm>>
      %dma_wait3A_69 = tpu.memref_slice %arg4[%add3A_45] : memref<640000xi32, #tpu.memory_space<hbm>> -> memref<128xi32, #tpu.memory_space<hbm>>
      tpu.wait_dma2 semaphore(%arg20 : memref<!tpu.dma_semaphore, #tpu.memory_space<semaphore_mem>>) src(%dma_wait3A_69 : memref<128xi32, #tpu.memory_space<hbm>>) dst(%arg10 : memref<128xi32, #tpu.memory_space<vmem>>)
      %dma_wait3A_70 = arith.constant 0 : i32
      %dma_wait3A_71 = arith.constant 0 : i32
      %dma_wait3A_72 = tpu.memref_slice %arg2[%dma_wait3A_70, %dma_wait3A_71] : memref<20480x128xf32, #tpu.memory_space<hbm>> -> memref<20480x128xf32, #tpu.memory_space<hbm>>
      tpu.wait_indirect_dma semaphore(%arg17 : memref<!tpu.dma_semaphore, #tpu.memory_space<semaphore_mem>>) src(%dma_wait3A_72 : memref<20480x128xf32, #tpu.memory_space<hbm>>) dst(%arg13 : memref<128x128xf32, #tpu.memory_space<vmem>>)
      "tpu.region"() ({
        %run_scoped3A = tpu.sem_alloc : memref<!tpu.dma_semaphore, #tpu.memory_space<semaphore_mem>>
        %dma_start3A_79 = arith.constant 0 : i32
        %dma_start3A_80 = arith.constant 0 : i32
        %dma_start3A_81 = tpu.memref_slice %arg8[%dma_start3A_79, %dma_start3A_80] : memref<10240x128xf32, #tpu.memory_space<vmem_shared>> -> memref<10240x128xf32, #tpu.memory_space<vmem_shared>>
        tpu.enqueue_indirect_dma source(%arg13 : memref<128x128xf32, #tpu.memory_space<vmem>>) target(%dma_start3A_81 : memref<10240x128xf32, #tpu.memory_space<vmem_shared>>) offsets(%arg10 : memref<128xi32, #tpu.memory_space<vmem>>) semaphore(%run_scoped3A : memref<!tpu.dma_semaphore, #tpu.memory_space<semaphore_mem>>) {add = true}
        %dma_wait3A_82 = arith.constant 0 : i32
        %dma_wait3A_83 = arith.constant 0 : i32
        %dma_wait3A_84 = tpu.memref_slice %arg8[%dma_wait3A_82, %dma_wait3A_83] : memref<10240x128xf32, #tpu.memory_space<vmem_shared>> -> memref<10240x128xf32, #tpu.memory_space<vmem_shared>>
        tpu.wait_indirect_dma semaphore(%run_scoped3A : memref<!tpu.dma_semaphore, #tpu.memory_space<semaphore_mem>>) src(%arg13 : memref<128x128xf32, #tpu.memory_space<vmem>>) dst(%dma_wait3A_84 : memref<10240x128xf32, #tpu.memory_space<vmem_shared>>)
        tpu.yield
      }) : () -> ()
      %dma_wait3A_73 = tpu.memref_slice %arg4[%add3A_55] : memref<640000xi32, #tpu.memory_space<hbm>> -> memref<128xi32, #tpu.memory_space<hbm>>
      %dma_wait3A_74 = tpu.memref_slice %arg4[%add3A_55] : memref<640000xi32, #tpu.memory_space<hbm>> -> memref<128xi32, #tpu.memory_space<hbm>>
      tpu.wait_dma2 semaphore(%arg22 : memref<!tpu.dma_semaphore, #tpu.memory_space<semaphore_mem>>) src(%dma_wait3A_74 : memref<128xi32, #tpu.memory_space<hbm>>) dst(%arg15 : memref<128xi32, #tpu.memory_space<vmem>>)
      %dma_wait3A_75 = arith.constant 0 : i32
      %dma_wait3A_76 = arith.constant 0 : i32
      %dma_wait3A_77 = tpu.memref_slice %arg2[%dma_wait3A_75, %dma_wait3A_76] : memref<20480x128xf32, #tpu.memory_space<hbm>> -> memref<20480x128xf32, #tpu.memory_space<hbm>>
      tpu.wait_indirect_dma semaphore(%arg18 : memref<!tpu.dma_semaphore, #tpu.memory_space<semaphore_mem>>) src(%dma_wait3A_77 : memref<20480x128xf32, #tpu.memory_space<hbm>>) dst(%arg16 : memref<128x128xf32, #tpu.memory_space<vmem>>)
      "tpu.region"() ({
        %run_scoped3A = tpu.sem_alloc : memref<!tpu.dma_semaphore, #tpu.memory_space<semaphore_mem>>
        %dma_start3A_79 = arith.constant 0 : i32
        %dma_start3A_80 = arith.constant 0 : i32
        %dma_start3A_81 = tpu.memref_slice %arg8[%dma_start3A_79, %dma_start3A_80] : memref<10240x128xf32, #tpu.memory_space<vmem_shared>> -> memref<10240x128xf32, #tpu.memory_space<vmem_shared>>
        tpu.enqueue_indirect_dma source(%arg16 : memref<128x128xf32, #tpu.memory_space<vmem>>) target(%dma_start3A_81 : memref<10240x128xf32, #tpu.memory_space<vmem_shared>>) offsets(%arg15 : memref<128xi32, #tpu.memory_space<vmem>>) semaphore(%run_scoped3A : memref<!tpu.dma_semaphore, #tpu.memory_space<semaphore_mem>>) {add = true}
        %dma_wait3A_82 = arith.constant 0 : i32
        %dma_wait3A_83 = arith.constant 0 : i32
        %dma_wait3A_84 = tpu.memref_slice %arg8[%dma_wait3A_82, %dma_wait3A_83] : memref<10240x128xf32, #tpu.memory_space<vmem_shared>> -> memref<10240x128xf32, #tpu.memory_space<vmem_shared>>
        tpu.wait_indirect_dma semaphore(%run_scoped3A : memref<!tpu.dma_semaphore, #tpu.memory_space<semaphore_mem>>) src(%arg16 : memref<128x128xf32, #tpu.memory_space<vmem>>) dst(%dma_wait3A_84 : memref<10240x128xf32, #tpu.memory_space<vmem_shared>>)
        tpu.yield
      }) : () -> ()
      %scan3A_78 = arith.constant 0 : i32
      scf.yield %scan3A_78 : i32
    }
    %scan3A_17 = arith.constant 78 : i32
    %add3A_18 = arith.constant 19968 : i32
    %add3A_19 = arith.addi %add3A, %add3A_18 : i32
    "tpu.region"() ({
      %run_scoped3A = tpu.sem_alloc : memref<!tpu.dma_semaphore, #tpu.memory_space<semaphore_mem>>
      %dma_start3A_41 = tpu.memref_slice %arg3[%add3A_19] : memref<640000xi32, #tpu.memory_space<hbm>> -> memref<32xi32, #tpu.memory_space<hbm>>
      %dma_start3A_42 = tpu.memref_slice %arg3[%add3A_19] : memref<640000xi32, #tpu.memory_space<hbm>> -> memref<32xi32, #tpu.memory_space<hbm>>
      tpu.enqueue_dma source(%dma_start3A_42 : memref<32xi32, #tpu.memory_space<hbm>>) target(%arg11 : memref<32xi32, #tpu.memory_space<vmem>>) target_semaphore(%run_scoped3A : memref<!tpu.dma_semaphore, #tpu.memory_space<semaphore_mem>>)
      %dma_wait3A_43 = tpu.memref_slice %arg3[%add3A_19] : memref<640000xi32, #tpu.memory_space<hbm>> -> memref<32xi32, #tpu.memory_space<hbm>>
      %dma_wait3A_44 = tpu.memref_slice %arg3[%add3A_19] : memref<640000xi32, #tpu.memory_space<hbm>> -> memref<32xi32, #tpu.memory_space<hbm>>
      tpu.wait_dma2 semaphore(%run_scoped3A : memref<!tpu.dma_semaphore, #tpu.memory_space<semaphore_mem>>) src(%dma_wait3A_44 : memref<32xi32, #tpu.memory_space<hbm>>) dst(%arg11 : memref<32xi32, #tpu.memory_space<vmem>>)
      tpu.yield
    }) : () -> ()
    "tpu.region"() ({
      %run_scoped3A = tpu.sem_alloc : memref<!tpu.dma_semaphore, #tpu.memory_space<semaphore_mem>>
      %dma_start3A_41 = tpu.memref_slice %arg4[%add3A_19] : memref<640000xi32, #tpu.memory_space<hbm>> -> memref<32xi32, #tpu.memory_space<hbm>>
      %dma_start3A_42 = tpu.memref_slice %arg4[%add3A_19] : memref<640000xi32, #tpu.memory_space<hbm>> -> memref<32xi32, #tpu.memory_space<hbm>>
      tpu.enqueue_dma source(%dma_start3A_42 : memref<32xi32, #tpu.memory_space<hbm>>) target(%arg12 : memref<32xi32, #tpu.memory_space<vmem>>) target_semaphore(%run_scoped3A : memref<!tpu.dma_semaphore, #tpu.memory_space<semaphore_mem>>)
      %dma_wait3A_43 = tpu.memref_slice %arg4[%add3A_19] : memref<640000xi32, #tpu.memory_space<hbm>> -> memref<32xi32, #tpu.memory_space<hbm>>
      %dma_wait3A_44 = tpu.memref_slice %arg4[%add3A_19] : memref<640000xi32, #tpu.memory_space<hbm>> -> memref<32xi32, #tpu.memory_space<hbm>>
      tpu.wait_dma2 semaphore(%run_scoped3A : memref<!tpu.dma_semaphore, #tpu.memory_space<semaphore_mem>>) src(%dma_wait3A_44 : memref<32xi32, #tpu.memory_space<hbm>>) dst(%arg12 : memref<32xi32, #tpu.memory_space<vmem>>)
      tpu.yield
    }) : () -> ()
    %dma_start3A = arith.constant 0 : i32
    %dma_start3A_20 = arith.constant 0 : i32
    %dma_start3A_21 = tpu.memref_slice %arg13[%dma_start3A, %dma_start3A_20] : memref<128x128xf32, #tpu.memory_space<vmem>> -> memref<32x128xf32, #tpu.memory_space<vmem>>
    %dma_start3A_22 = arith.constant 0 : i32
    %dma_start3A_23 = arith.constant 0 : i32
    %dma_start3A_24 = tpu.memref_slice %arg2[%dma_start3A_22, %dma_start3A_23] : memref<20480x128xf32, #tpu.memory_space<hbm>> -> memref<20480x128xf32, #tpu.memory_space<hbm>>
    tpu.enqueue_indirect_dma source(%dma_start3A_24 : memref<20480x128xf32, #tpu.memory_space<hbm>>) target(%dma_start3A_21 : memref<32x128xf32, #tpu.memory_space<vmem>>) offsets(%arg11 : memref<32xi32, #tpu.memory_space<vmem>>) semaphore(%arg17 : memref<!tpu.dma_semaphore, #tpu.memory_space<semaphore_mem>>)
    %dma_wait3A = arith.constant 0 : i32
    %dma_wait3A_25 = arith.constant 0 : i32
    %dma_wait3A_26 = tpu.memref_slice %arg13[%dma_wait3A, %dma_wait3A_25] : memref<128x128xf32, #tpu.memory_space<vmem>> -> memref<32x128xf32, #tpu.memory_space<vmem>>
    %dma_wait3A_27 = arith.constant 0 : i32
    %dma_wait3A_28 = arith.constant 0 : i32
    %dma_wait3A_29 = tpu.memref_slice %arg2[%dma_wait3A_27, %dma_wait3A_28] : memref<20480x128xf32, #tpu.memory_space<hbm>> -> memref<20480x128xf32, #tpu.memory_space<hbm>>
    tpu.wait_indirect_dma semaphore(%arg17 : memref<!tpu.dma_semaphore, #tpu.memory_space<semaphore_mem>>) src(%dma_wait3A_29 : memref<20480x128xf32, #tpu.memory_space<hbm>>) dst(%dma_wait3A_26 : memref<32x128xf32, #tpu.memory_space<vmem>>)
    "tpu.region"() ({
      %run_scoped3A = tpu.sem_alloc : memref<!tpu.dma_semaphore, #tpu.memory_space<semaphore_mem>>
      %dma_start3A_41 = arith.constant 0 : i32
      %dma_start3A_42 = arith.constant 0 : i32
      %dma_start3A_43 = tpu.memref_slice %arg13[%dma_start3A_41, %dma_start3A_42] : memref<128x128xf32, #tpu.memory_space<vmem>> -> memref<32x128xf32, #tpu.memory_space<vmem>>
      %dma_start3A_44 = arith.constant 0 : i32
      %dma_start3A_45 = arith.constant 0 : i32
      %dma_start3A_46 = tpu.memref_slice %arg8[%dma_start3A_44, %dma_start3A_45] : memref<10240x128xf32, #tpu.memory_space<vmem_shared>> -> memref<10240x128xf32, #tpu.memory_space<vmem_shared>>
      tpu.enqueue_indirect_dma source(%dma_start3A_43 : memref<32x128xf32, #tpu.memory_space<vmem>>) target(%dma_start3A_46 : memref<10240x128xf32, #tpu.memory_space<vmem_shared>>) offsets(%arg12 : memref<32xi32, #tpu.memory_space<vmem>>) semaphore(%run_scoped3A : memref<!tpu.dma_semaphore, #tpu.memory_space<semaphore_mem>>) {add = true}
      %dma_wait3A_47 = arith.constant 0 : i32
      %dma_wait3A_48 = arith.constant 0 : i32
      %dma_wait3A_49 = tpu.memref_slice %arg13[%dma_wait3A_47, %dma_wait3A_48] : memref<128x128xf32, #tpu.memory_space<vmem>> -> memref<32x128xf32, #tpu.memory_space<vmem>>
      %dma_wait3A_50 = arith.constant 0 : i32
      %dma_wait3A_51 = arith.constant 0 : i32
      %dma_wait3A_52 = tpu.memref_slice %arg8[%dma_wait3A_50, %dma_wait3A_51] : memref<10240x128xf32, #tpu.memory_space<vmem_shared>> -> memref<10240x128xf32, #tpu.memory_space<vmem_shared>>
      tpu.wait_indirect_dma semaphore(%run_scoped3A : memref<!tpu.dma_semaphore, #tpu.memory_space<semaphore_mem>>) src(%dma_wait3A_49 : memref<32x128xf32, #tpu.memory_space<vmem>>) dst(%dma_wait3A_52 : memref<10240x128xf32, #tpu.memory_space<vmem_shared>>)
      tpu.yield
    }) : () -> ()
    %barrier3A_30 = arith.constant 0 : index
    tpu.barrier barrier_id(%barrier3A_30)
    %mul3A_31 = arith.constant 10240 : i32
    %mul3A_32 = arith.muli %arg0, %mul3A_31 : i32
    %add3A_33 = arith.addi %mul3A_32, %mul3A_0 : i32
    %scan3A_34 = arith.constant 0 : i32
    %scan3A_35 = arith.constant 0 : i32
    %scan3A_36 = arith.constant 5 : i32
    %scan3A_37 = arith.addi %scan3A_35, %scan3A_36 : i32
    %scan3A_38 = arith.constant 1 : i32
    %scan3A_39 = scf.for %scan3A_41 = %scan3A_35 to %scan3A_37 step %scan3A_38 iter_args(%scan3A_42 = %scan3A_34) -> (i32)  : i32 {
      %mul3A_43 = arith.constant 128 : i32
      %mul3A_44 = arith.muli %scan3A_41, %mul3A_43 : i32
      %add3A_45 = arith.addi %mul3A_0, %mul3A_44 : i32
      "tpu.region"() ({
        %run_scoped3A = tpu.sem_alloc : memref<!tpu.dma_semaphore, #tpu.memory_space<semaphore_mem>>
        %dma_start3A_56 = tpu.memref_slice %arg5[%add3A_45] : memref<10240xi32, #tpu.memory_space<hbm>> -> memref<128xi32, #tpu.memory_space<hbm>>
        %dma_start3A_57 = tpu.memref_slice %arg5[%add3A_45] : memref<10240xi32, #tpu.memory_space<hbm>> -> memref<128xi32, #tpu.memory_space<hbm>>
        tpu.enqueue_dma source(%dma_start3A_57 : memref<128xi32, #tpu.memory_space<hbm>>) target(%arg9 : memref<128xi32, #tpu.memory_space<vmem>>) target_semaphore(%run_scoped3A : memref<!tpu.dma_semaphore, #tpu.memory_space<semaphore_mem>>)
        %dma_wait3A_58 = tpu.memref_slice %arg5[%add3A_45] : memref<10240xi32, #tpu.memory_space<hbm>> -> memref<128xi32, #tpu.memory_space<hbm>>
        %dma_wait3A_59 = tpu.memref_slice %arg5[%add3A_45] : memref<10240xi32, #tpu.memory_space<hbm>> -> memref<128xi32, #tpu.memory_space<hbm>>
        tpu.wait_dma2 semaphore(%run_scoped3A : memref<!tpu.dma_semaphore, #tpu.memory_space<semaphore_mem>>) src(%dma_wait3A_59 : memref<128xi32, #tpu.memory_space<hbm>>) dst(%arg9 : memref<128xi32, #tpu.memory_space<vmem>>)
        tpu.yield
      }) : () -> ()
      %dma_start3A_46 = arith.constant 0 : i32
      %dma_start3A_47 = arith.constant 0 : i32
      %dma_start3A_48 = tpu.memref_slice %arg8[%dma_start3A_46, %dma_start3A_47] : memref<10240x128xf32, #tpu.memory_space<vmem_shared>> -> memref<10240x128xf32, #tpu.memory_space<vmem_shared>>
      tpu.enqueue_indirect_dma source(%dma_start3A_48 : memref<10240x128xf32, #tpu.memory_space<vmem_shared>>) target(%arg13 : memref<128x128xf32, #tpu.memory_space<vmem>>) offsets(%arg9 : memref<128xi32, #tpu.memory_space<vmem>>) semaphore(%arg17 : memref<!tpu.dma_semaphore, #tpu.memory_space<semaphore_mem>>)
      %dma_wait3A_49 = arith.constant 0 : i32
      %dma_wait3A_50 = arith.constant 0 : i32
      %dma_wait3A_51 = tpu.memref_slice %arg8[%dma_wait3A_49, %dma_wait3A_50] : memref<10240x128xf32, #tpu.memory_space<vmem_shared>> -> memref<10240x128xf32, #tpu.memory_space<vmem_shared>>
      tpu.wait_indirect_dma semaphore(%arg17 : memref<!tpu.dma_semaphore, #tpu.memory_space<semaphore_mem>>) src(%dma_wait3A_51 : memref<10240x128xf32, #tpu.memory_space<vmem_shared>>) dst(%arg13 : memref<128x128xf32, #tpu.memory_space<vmem>>)
      %mul3A_52 = arith.constant 128 : i32
      %mul3A_53 = arith.muli %scan3A_41, %mul3A_52 : i32
      %add3A_54 = arith.addi %add3A_33, %mul3A_53 : i32
      "tpu.region"() ({
        %run_scoped3A = tpu.sem_alloc : memref<!tpu.dma_semaphore, #tpu.memory_space<semaphore_mem>>
        %dma_start3A_56 = arith.constant 0 : i32
        %dma_start3A_57 = tpu.memref_slice %arg7[%add3A_54, %dma_start3A_56] : memref<20480x128xf32, #tpu.memory_space<hbm>> -> memref<128x128xf32, #tpu.memory_space<hbm>>
        %dma_start3A_58 = arith.constant 0 : i32
        %dma_start3A_59 = tpu.memref_slice %arg7[%add3A_54, %dma_start3A_58] : memref<20480x128xf32, #tpu.memory_space<hbm>> -> memref<128x128xf32, #tpu.memory_space<hbm>>
        tpu.enqueue_dma source(%arg13 : memref<128x128xf32, #tpu.memory_space<vmem>>) target(%dma_start3A_59 : memref<128x128xf32, #tpu.memory_space<hbm>>) target_semaphore(%run_scoped3A : memref<!tpu.dma_semaphore, #tpu.memory_space<semaphore_mem>>)
        %dma_wait3A_60 = arith.constant 0 : i32
        %dma_wait3A_61 = tpu.memref_slice %arg7[%add3A_54, %dma_wait3A_60] : memref<20480x128xf32, #tpu.memory_space<hbm>> -> memref<128x128xf32, #tpu.memory_space<hbm>>
        %dma_wait3A_62 = arith.constant 0 : i32
        %dma_wait3A_63 = tpu.memref_slice %arg7[%add3A_54, %dma_wait3A_62] : memref<20480x128xf32, #tpu.memory_space<hbm>> -> memref<128x128xf32, #tpu.memory_space<hbm>>
        tpu.wait_dma2 semaphore(%run_scoped3A : memref<!tpu.dma_semaphore, #tpu.memory_space<semaphore_mem>>) src(%arg13 : memref<128x128xf32, #tpu.memory_space<vmem>>) dst(%dma_wait3A_63 : memref<128x128xf32, #tpu.memory_space<hbm>>)
        tpu.yield
      }) : () -> ()
      %scan3A_55 = arith.constant 0 : i32
      scf.yield %scan3A_55 : i32
    }
    %scan3A_40 = arith.constant 5 : i32
    return
  }
}

module attributes {stable_mosaic.version = 14 : i64} {
  func.func @_tc_body(%arg0: i32, %arg1: i32, %arg2: memref<1x1024x128xf32, #tpu.memory_space<vmem>>, %arg3: memref<1x1024x128xf32, #tpu.memory_space<vmem>>, %arg4: memref<1x1024x128xf32, #tpu.memory_space<vmem>>, %arg5: memref<1x128x128xf32, #tpu.memory_space<vmem>>, %arg6: memref<1x1x128xf32, #tpu.memory_space<vmem>>, %arg7: memref<1x128x128xf32, #tpu.memory_space<vmem>>, %arg8: memref<1x1x128xf32, #tpu.memory_space<vmem>>, %arg9: memref<1x1x128xf32, #tpu.memory_space<vmem>>, %arg10: memref<1x1024x128xf32, #tpu.memory_space<vmem>>) attributes {dimension_semantics = [#tpu.dimension_semantics<arbitrary>, #tpu.dimension_semantics<arbitrary>], iteration_bounds = array<i64: 2, 10>, scalar_prefetch = 0 : i64, scratch_operands = 0 : i64, tpu.core_type = #tpu.core_type<tc>, window_params = [{transform_indices = @transform_0, window_bounds = array<i64: 1, 1024, 128>}, {transform_indices = @transform_1, window_bounds = array<i64: 1, 1024, 128>}, {transform_indices = @transform_2, window_bounds = array<i64: 1, 1024, 128>}, {transform_indices = @transform_3, window_bounds = array<i64: 1, 128, 128>}, {transform_indices = @transform_4, window_bounds = array<i64: 1, 1, 128>}, {transform_indices = @transform_5, window_bounds = array<i64: 1, 128, 128>}, {transform_indices = @transform_6, window_bounds = array<i64: 1, 1, 128>}, {transform_indices = @transform_7, window_bounds = array<i64: 1, 1, 128>}, {transform_indices = @transform_8, window_bounds = array<i64: 1, 1024, 128>}]} {
    %get3A = arith.constant 0 : index
    %get3A_0 = arith.constant 0 : index
    %get3A_1 = arith.constant 0 : index
    %get3A_2 = vector.load %arg4[%get3A, %get3A_0, %get3A_1] : memref<1x1024x128xf32, #tpu.memory_space<vmem>>, vector<1x1024x1xf32>
    %get3A_3 = vector.shape_cast %get3A_2 : vector<1x1024x1xf32> to vector<1024x1xf32>
    %get3A_4 = arith.constant 0 : index
    %get3A_5 = arith.constant 0 : index
    %get3A_6 = arith.constant 0 : index
    %get3A_7 = vector.load %arg3[%get3A_4, %get3A_5, %get3A_6] : memref<1x1024x128xf32, #tpu.memory_space<vmem>>, vector<1x1024x128xf32>
    %get3A_8 = vector.shape_cast %get3A_7 : vector<1x1024x128xf32> to vector<1024x128xf32>
    %max3A = arith.constant 1.000000e+00 : f32
    %max3A_9 = vector.broadcast %max3A : f32 to vector<1024x1xf32>
    %max3A_10 = arith.maximumf %get3A_3, %max3A_9 : vector<1024x1xf32>
    %div3A = vector.broadcast %max3A_10 : vector<1024x1xf32> to vector<1024x128xf32>
    %div3A_11 = arith.divf %get3A_8, %div3A : vector<1024x128xf32>
    %get3A_12 = arith.constant 0 : index
    %get3A_13 = arith.constant 0 : index
    %get3A_14 = arith.constant 0 : index
    %get3A_15 = vector.load %arg5[%get3A_12, %get3A_13, %get3A_14] : memref<1x128x128xf32, #tpu.memory_space<vmem>>, vector<1x128x128xf32>
    %get3A_16 = vector.shape_cast %get3A_15 : vector<1x128x128xf32> to vector<128x128xf32>
    %dot_general3A = arith.constant dense<0.000000e+00> : vector<1024x128xf32>
    %dot_general3A_17 = tpu.matmul %div3A_11, %get3A_16, %dot_general3A {dimension_numbers = #tpu.dot_dimension_numbers<[1], [1], [0], [0], [0, 0, 1, 0], [], []>, transpose_lhs_hint = false} : vector<1024x128xf32>, vector<128x128xf32>, vector<1024x128xf32> -> vector<1024x128xf32>
    %get3A_18 = arith.constant 0 : index
    %get3A_19 = arith.constant 0 : index
    %get3A_20 = arith.constant 0 : index
    %get3A_21 = vector.load %arg6[%get3A_18, %get3A_19, %get3A_20] : memref<1x1x128xf32, #tpu.memory_space<vmem>>, vector<1x1x128xf32>
    %get3A_22 = vector.shape_cast %get3A_21 : vector<1x1x128xf32> to vector<128xf32>
    %broadcast_in_dim3A = vector.shape_cast %get3A_22 : vector<128xf32> to vector<1x128xf32>
    %add3A = vector.broadcast %broadcast_in_dim3A : vector<1x128xf32> to vector<1024x128xf32>
    %add3A_23 = arith.addf %dot_general3A_17, %add3A : vector<1024x128xf32>
    %get3A_24 = arith.constant 0 : index
    %get3A_25 = arith.constant 0 : index
    %get3A_26 = arith.constant 0 : index
    %get3A_27 = vector.load %arg2[%get3A_24, %get3A_25, %get3A_26] : memref<1x1024x128xf32, #tpu.memory_space<vmem>>, vector<1x1024x128xf32>
    %get3A_28 = vector.shape_cast %get3A_27 : vector<1x1024x128xf32> to vector<1024x128xf32>
    %get3A_29 = arith.constant 0 : index
    %get3A_30 = arith.constant 0 : index
    %get3A_31 = arith.constant 0 : index
    %get3A_32 = vector.load %arg7[%get3A_29, %get3A_30, %get3A_31] : memref<1x128x128xf32, #tpu.memory_space<vmem>>, vector<1x128x128xf32>
    %get3A_33 = vector.shape_cast %get3A_32 : vector<1x128x128xf32> to vector<128x128xf32>
    %dot_general3A_34 = arith.constant dense<0.000000e+00> : vector<1024x128xf32>
    %dot_general3A_35 = tpu.matmul %get3A_28, %get3A_33, %dot_general3A_34 {dimension_numbers = #tpu.dot_dimension_numbers<[1], [1], [0], [0], [0, 0, 1, 0], [], []>, transpose_lhs_hint = false} : vector<1024x128xf32>, vector<128x128xf32>, vector<1024x128xf32> -> vector<1024x128xf32>
    %add3A_36 = arith.addf %add3A_23, %dot_general3A_35 : vector<1024x128xf32>
    %reduce_sum3A = arith.constant dense<0.000000e+00> : vector<1024xf32>
    %reduce_sum3A_37 = vector.multi_reduction <add>, %add3A_36, %reduce_sum3A [1] : vector<1024x128xf32> to vector<1024xf32>
    %broadcast_in_dim3A_38 = vector.shape_cast %reduce_sum3A_37 : vector<1024xf32> to vector<1024x1xf32>
    %div3A_39 = arith.constant 1.280000e+02 : f32
    %div3A_40 = vector.broadcast %div3A_39 : f32 to vector<1024x1xf32>
    %div3A_41 = arith.divf %broadcast_in_dim3A_38, %div3A_40 : vector<1024x1xf32>
    %sub3A = vector.broadcast %div3A_41 : vector<1024x1xf32> to vector<1024x128xf32>
    %sub3A_42 = arith.subf %add3A_36, %sub3A : vector<1024x128xf32>
    %sub3A_43 = vector.broadcast %div3A_41 : vector<1024x1xf32> to vector<1024x128xf32>
    %sub3A_44 = arith.subf %add3A_36, %sub3A_43 : vector<1024x128xf32>
    %mul3A = arith.mulf %sub3A_42, %sub3A_44 : vector<1024x128xf32>
    %reduce_sum3A_45 = arith.constant dense<0.000000e+00> : vector<1024xf32>
    %reduce_sum3A_46 = vector.multi_reduction <add>, %mul3A, %reduce_sum3A_45 [1] : vector<1024x128xf32> to vector<1024xf32>
    %broadcast_in_dim3A_47 = vector.shape_cast %reduce_sum3A_46 : vector<1024xf32> to vector<1024x1xf32>
    %div3A_48 = arith.constant 1.280000e+02 : f32
    %div3A_49 = vector.broadcast %div3A_48 : f32 to vector<1024x1xf32>
    %div3A_50 = arith.divf %broadcast_in_dim3A_47, %div3A_49 : vector<1024x1xf32>
    %sub3A_51 = vector.broadcast %div3A_41 : vector<1024x1xf32> to vector<1024x128xf32>
    %sub3A_52 = arith.subf %add3A_36, %sub3A_51 : vector<1024x128xf32>
    %add3A_53 = arith.constant 9.99999974E-6 : f32
    %add3A_54 = vector.broadcast %add3A_53 : f32 to vector<1024x1xf32>
    %add3A_55 = arith.addf %div3A_50, %add3A_54 : vector<1024x1xf32>
    %rsqrt3A = math.rsqrt %add3A_55 : vector<1024x1xf32>
    %mul3A_56 = vector.broadcast %rsqrt3A : vector<1024x1xf32> to vector<1024x128xf32>
    %mul3A_57 = arith.mulf %sub3A_52, %mul3A_56 : vector<1024x128xf32>
    %get3A_58 = arith.constant 0 : index
    %get3A_59 = arith.constant 0 : index
    %get3A_60 = arith.constant 0 : index
    %get3A_61 = vector.load %arg8[%get3A_58, %get3A_59, %get3A_60] : memref<1x1x128xf32, #tpu.memory_space<vmem>>, vector<1x1x128xf32>
    %get3A_62 = vector.shape_cast %get3A_61 : vector<1x1x128xf32> to vector<128xf32>
    %broadcast_in_dim3A_63 = vector.shape_cast %get3A_62 : vector<128xf32> to vector<1x128xf32>
    %mul3A_64 = vector.broadcast %broadcast_in_dim3A_63 : vector<1x128xf32> to vector<1024x128xf32>
    %mul3A_65 = arith.mulf %mul3A_57, %mul3A_64 : vector<1024x128xf32>
    %get3A_66 = arith.constant 0 : index
    %get3A_67 = arith.constant 0 : index
    %get3A_68 = arith.constant 0 : index
    %get3A_69 = vector.load %arg9[%get3A_66, %get3A_67, %get3A_68] : memref<1x1x128xf32, #tpu.memory_space<vmem>>, vector<1x1x128xf32>
    %get3A_70 = vector.shape_cast %get3A_69 : vector<1x1x128xf32> to vector<128xf32>
    %broadcast_in_dim3A_71 = vector.shape_cast %get3A_70 : vector<128xf32> to vector<1x128xf32>
    %add3A_72 = vector.broadcast %broadcast_in_dim3A_71 : vector<1x128xf32> to vector<1024x128xf32>
    %add3A_73 = arith.addf %mul3A_65, %add3A_72 : vector<1024x128xf32>
    %max3A_74 = arith.constant 0.000000e+00 : f32
    %max3A_75 = vector.broadcast %max3A_74 : f32 to vector<1024x128xf32>
    %max3A_76 = arith.maximumf %add3A_73, %max3A_75 : vector<1024x128xf32>
    %swap3A = arith.constant 0 : index
    %swap3A_77 = arith.constant 0 : index
    %swap3A_78 = arith.constant 0 : index
    %swap3A_79 = vector.load %arg10[%swap3A, %swap3A_77, %swap3A_78] : memref<1x1024x128xf32, #tpu.memory_space<vmem>>, vector<1x1024x128xf32>
    %swap3A_80 = vector.shape_cast %swap3A_79 : vector<1x1024x128xf32> to vector<1024x128xf32>
    %swap3A_81 = vector.shape_cast %max3A_76 : vector<1024x128xf32> to vector<1x1024x128xf32>
    tpu.vector_store %arg10[%swap3A, %swap3A_77, %swap3A_78], %swap3A_81 {strides = array<i32>} : memref<1x1024x128xf32, #tpu.memory_space<vmem>>, vector<1x1024x128xf32>,
    return
  }
  func.func @transform_0(%arg0: i32, %arg1: i32) -> (i32, i32, i32) {
    %c0_i32 = arith.constant 0 : i32
    %c0_i32_0 = arith.constant 0 : i32
    return %arg0, %arg1, %c0_i32 : i32, i32, i32
  }
  func.func @transform_1(%arg0: i32, %arg1: i32) -> (i32, i32, i32) {
    %sub3A = arith.constant 1 : i32
    %sub3A_0 = arith.subi %sub3A, %arg0 : i32
    %c0_i32 = arith.constant 0 : i32
    %c0_i32_1 = arith.constant 0 : i32
    return %sub3A_0, %arg1, %c0_i32 : i32, i32, i32
  }
  func.func @transform_2(%arg0: i32, %arg1: i32) -> (i32, i32, i32) {
    %sub3A = arith.constant 1 : i32
    %sub3A_0 = arith.subi %sub3A, %arg0 : i32
    %c0_i32 = arith.constant 0 : i32
    %c0_i32_1 = arith.constant 0 : i32
    return %sub3A_0, %arg1, %c0_i32 : i32, i32, i32
  }
  func.func @transform_3(%arg0: i32, %arg1: i32) -> (i32, i32, i32) {
    %c0_i32 = arith.constant 0 : i32
    %c0_i32_0 = arith.constant 0 : i32
    %c0_i32_1 = arith.constant 0 : i32
    return %arg0, %c0_i32, %c0_i32_0 : i32, i32, i32
  }
  func.func @transform_4(%arg0: i32, %arg1: i32) -> (i32, i32, i32) {
    %c0_i32 = arith.constant 0 : i32
    %c0_i32_0 = arith.constant 0 : i32
    %c0_i32_1 = arith.constant 0 : i32
    return %arg0, %c0_i32, %c0_i32_0 : i32, i32, i32
  }
  func.func @transform_5(%arg0: i32, %arg1: i32) -> (i32, i32, i32) {
    %c0_i32 = arith.constant 0 : i32
    %c0_i32_0 = arith.constant 0 : i32
    %c0_i32_1 = arith.constant 0 : i32
    return %arg0, %c0_i32, %c0_i32_0 : i32, i32, i32
  }
  func.func @transform_6(%arg0: i32, %arg1: i32) -> (i32, i32, i32) {
    %c0_i32 = arith.constant 0 : i32
    %c0_i32_0 = arith.constant 0 : i32
    %c0_i32_1 = arith.constant 0 : i32
    return %arg0, %c0_i32, %c0_i32_0 : i32, i32, i32
  }
  func.func @transform_7(%arg0: i32, %arg1: i32) -> (i32, i32, i32) {
    %c0_i32 = arith.constant 0 : i32
    %c0_i32_0 = arith.constant 0 : i32
    %c0_i32_1 = arith.constant 0 : i32
    return %arg0, %c0_i32, %c0_i32_0 : i32, i32, i32
  }
  func.func @transform_8(%arg0: i32, %arg1: i32) -> (i32, i32, i32) {
    %c0_i32 = arith.constant 0 : i32
    %c0_i32_0 = arith.constant 0 : i32
    return %arg0, %arg1, %c0_i32 : i32, i32, i32
  }
}

</mosaic_0001>

<sc_bundles>
// kernel: kernel.10.cloned.1.call-start
scs
__scs_entry_jumppad:
0x0: {  	(pc) =	sbr.rel $0x88, $3  }
0x1: {  	(tag) =	ssettag $0x0;
	lr =	simm.s32 $0x1  }
0x2: {  	[smem:$0x3F89] =	sst lr;
	_ =	strace $0xD0000000  }
0x3: {  	_ = 	snop  }
0x4: {  	_ = 	snop  }
0x5: {  	_ = 	snop  }
0x6: {  	_ = 	snop  }
0x7: {  	_ = 	snop  }
__scs_overlays_trampoline_lowered:
0x8: {  	[smem:$0x3F98] =	sst s0  }
0x9: {  	[smem:$0x3F99] =	sst s1  }
0xa: {  	[smem:$0x3F9A] =	sst s2  }
0xb: {  	[smem:$0x3F9B] =	sst s3  }
0xc: {  	[smem:$0x3F9C] =	sst s4  }
0xd: {  	[smem:$0x3F9D] =	sst s5  }
0xe: {  	[smem:$0x3F9E] =	sst s6  }
0xf: {  	[smem:$0x3F9F] =	sst s7  }
0x10: {  	[smem:$0x3FA0] =	sst s8  }
0x11: {  	[smem:$0x3FA1] =	sst s9;
	s0 =	simm.s32 @!p0 $0x0  }
0x12: {  	s1 =	sld [smem:$0x3F87];
	s0 =	simm.s32 @p0 $0x1  }
0x13: {  	[smem:$0x3FA2] =	sst s0;
	s0 =	simm.s32 @!p1 $0x0  }
0x14: {  	s2 =	sld [smem:$0x3F86];
	s0 =	simm.s32 @p1 $0x1  }
0x15: {  	[smem:$0x3FA3] =	sst s0;
	s0 =	simm.s32 @!p2 $0x0  }
0x16: {  	s3 =	sld [smem:$0x3FDB];
	s0 =	simm.s32 @p2 $0x1  }
0x17: {  	s4 =	simm.s32 $0x1BF5;
	[smem:$0x3FA5] =	sst s0  }
0x18: {  	s0 =	sld [smem:$0x3F88];
	_ =	swait.ge [sflag:s4], $0x0  }
0x19: {  	s7 =	sld [smem:$0x3F89]  }
0x1a: {  	s8 =	sadd.s32 $0xFFFFE003, lr  }
0x1b: {  	s9 =	sadd.s32 $0xFFFFFEF7, lr;
	s5 =	simm.s32 $0xFFFFFFFF;
	p2 =	slt.u32 s8, $0xFFFFF086  }
0x1c: {  	p1 =	slt.u32 s9, $0xF7A;
	s5 =	simm.s32 @!p2 $0x0  }
0x1d: {  	s5 =	simm.s32 @p1 $0x1;
	p0 =	seq.s32 s7, s2  }
0x1e: {  	s7 =	smul.u32 @!p0 $0xF7A, s2;
	p2 =	seq.s32 @!p0 s5, $0x0  }
0x1f: {  	s9 =	smul.u32 $0xF7A, s1;
	s8 =	simm.s32 @!p0 $0x1BF5;
	p2 =	por !p2, p0  }
0x20: {  	[sflag:s8] =	ssyncset.s32 @!p0 $0xFFFFF086;
	s6 =	sadd.s32 @!p0 s3, s7;
	s7 =	simm.s32 @!p0 $0x108  }
0x21: {  	s3 =	sadd.s32 s3, s9;
	s6 =	sadd.s32 @!p0 $0x88, s6;
	s7 =	simm.s32 @p2 $0x1082  }
0x22: {  	[simem:s7], [sflag:s8] =	dma.local @!p0 [hbm:s6], $0xF7A  }
0x23: {  	s9 =	sor.u32 $0xD0000000, s2;
	s6 =	simm.s32 $0x108;
	_ =	swait.ge @!p0 [sflag:s8], $0x0  }
0x24: {  	s3 =	sadd.s32 $0x88, s3;
	s6 =	simm.s32 @!p1 $0x1082;
	[sflag:s4] =	ssyncset.s32 $0xFFFFF086  }
0x25: {  	[simem:s6], [sflag:s4] =	dma.local [hbm:s3], $0xF7A  }
0x26: {  	[smem:$0x3F89] =	sst s1;
	(tag) =	ssettag s2;
	_ =	strace s9  }
0x27: {  	s1 =	sld [smem:$0x3F99]  }
0x28: {  	s2 =	sld [smem:$0x3F9A]  }
0x29: {  	s4 =	sld [smem:$0x3F9C]  }
0x2a: {  	p0 =	seq.s32 s5, $0x0;
	s5 =	sld [smem:$0x3F9D]  }
0x2b: {  	s6 =	sld [smem:$0x3F9E]  }
0x2c: {  	s7 =	sld [smem:$0x3F9F]  }
0x2d: {  	s3 =	simm.s32 $0x108;
	s8 =	sld [smem:$0x3FA0]  }
0x2e: {  	s3 =	simm.s32 @!p0 $0x1082;
	s9 =	sld [smem:$0x3FA1]  }
0x2f: {  	lr =	sadd.s32 s0, s3;
	s0 =	sld [smem:$0x3F98]  }
0x30: {  	s3 =	sld [smem:$0x3F9B]  }
0x31: {  	[smem:$0x3FA4] =	sst s10  }
0x32: {  	s10 =	sld [smem:$0x3FA2];
	_ =	sdelay $0x3  }
0x33: {  	p0 =	seq.s32 s10, $0x1;
	s10 =	sld [smem:$0x3FA4];
	_ =	sdelay $0x3  }
0x34: {  	[smem:$0x3FA4] =	sst s10  }
0x35: {  	s10 =	sld [smem:$0x3FA3];
	_ =	sdelay $0x3  }
0x36: {  	p1 =	seq.s32 s10, $0x1;
	s10 =	sld [smem:$0x3FA4];
	_ =	sdelay $0x3  }
0x37: {  	[smem:$0x3FA4] =	sst s10  }
0x38: {  	s10 =	sld [smem:$0x3FA5]  }
0x39: {  	_ = 	snop;
	(pc) =	sbr.ind lr, $3  }
0x3a: {  	_ = 	snop  }
0x3b: {  	_ = 	snop  }
0x3c: {  	p2 =	seq.s32 s10, $0x1;
	s10 =	sld [smem:$0x3FA4]  }
0x3d: {  	_ =	shalt  }
0x3e: {  	_ =	shalt  }
0x3f: {  	_ =	shalt  }
0x40: {  	_ =	shalt  }
0x41: {  	_ =	shalt  }
0x42: {  	_ =	shalt  }
0x43: {  	_ =	shalt  }
0x44: {  	_ =	shalt  }
0x45: {  	_ =	shalt  }
0x46: {  	_ =	shalt  }
0x47: {  	_ =	shalt  }
0x48: {  	_ =	shalt  }
0x49: {  	_ =	shalt  }
0x4a: {  	_ =	shalt  }
0x4b: {  	_ =	shalt  }
0x4c: {  	_ =	shalt  }
0x4d: {  	_ =	shalt  }
0x4e: {  	_ =	shalt  }
0x4f: {  	_ =	shalt  }
0x50: {  	_ =	shalt  }
0x51: {  	_ =	shalt  }
0x52: {  	_ =	shalt  }
0x53: {  	_ =	shalt  }
0x54: {  	_ =	shalt  }
0x55: {  	_ =	shalt  }
0x56: {  	_ =	shalt  }
0x57: {  	_ =	shalt  }
0x58: {  	_ =	shalt  }
0x59: {  	_ =	shalt  }
0x5a: {  	_ =	shalt  }
0x5b: {  	_ =	shalt  }
0x5c: {  	_ =	shalt  }
0x5d: {  	_ =	shalt  }
0x5e: {  	_ =	shalt  }
0x5f: {  	_ =	shalt  }
0x60: {  	_ =	shalt  }
0x61: {  	_ =	shalt  }
0x62: {  	_ =	shalt  }
0x63: {  	_ =	shalt  }
0x64: {  	_ =	shalt  }
0x65: {  	_ =	shalt  }
0x66: {  	_ =	shalt  }
0x67: {  	_ =	shalt  }
0x68: {  	_ =	shalt  }
0x69: {  	_ =	shalt  }
0x6a: {  	_ =	shalt  }
0x6b: {  	_ =	shalt  }
0x6c: {  	_ =	shalt  }
0x6d: {  	_ =	shalt  }
0x6e: {  	_ =	shalt  }
0x6f: {  	_ =	shalt  }
0x70: {  	_ =	shalt  }
0x71: {  	_ =	shalt  }
0x72: {  	_ =	shalt  }
0x73: {  	_ =	shalt  }
0x74: {  	_ =	shalt  }
0x75: {  	_ =	shalt  }
0x76: {  	_ =	shalt  }
0x77: {  	_ =	shalt  }
0x78: {  	_ =	shalt  }
0x79: {  	_ =	shalt  }
0x7a: {  	_ =	shalt  }
0x7b: {  	_ =	shalt  }
0x7c: {  	_ =	shalt  }
0x7d: {  	_ =	shalt  }
0x7e: {  	_ =	shalt  }
0x7f: {  	_ =	shalt  }
0x80: {  	_ =	shalt  }
0x81: {  	_ =	shalt  }
0x82: {  	_ =	shalt  }
0x83: {  	_ =	shalt  }
0x84: {  	_ =	shalt  }
0x85: {  	_ =	shalt  }
0x86: {  	_ =	shalt  }
0x87: {  	_ =	shalt  }
.Lfunc_end0:
.L_simem_size_0:
called_computation.1_lowered:
.L_overlay_start_0:
0x88: {  	s2 =	sld [smem:$0x3FD9]  }
0x89: {  	s3 =	sld [smem:$0x3FFE];
	_ =	sdelay $0x1  }
0x8a: {  	s1 =	srdreg.scid  }
0x8b: {  	s0 =	sand.u32 $0x1, s1  }
0x8c: {  	s14 =	sshll.u32 s0, $0xA;
	s2 =	sadd.s32 s3, s2  }
0x8d: {  	s2 =	sadd.s32 s2, s14  }
0x8e: {  	[smem:$0x3FB0] =	sst s2  }
0x8f: {  	_ = 	snop  }
0x90: {  	s2 =	sld [smem:$0x3FD0];
	_ =	sdelay $0x2  }
0x91: {  	s15 =	simm.s32 $0xB;
	s4 =	simm.s32 $0x10  }
0x92: {  	[smem:s4], [sflag:s15] =	dma.local [hbm:s2], $0x1  }
0x93: {  	_ =	swait.eq [sflag:s15], $0x1  }
0x94: {  	[sflag:s15] =	ssyncset.done $0x0  }
0x95: {  	s16 =	sld [smem:$0x10];
	[sflag:s15] =	ssyncadd.s32 $0xFFFFFFFF  }
0x96: {  	s17 =	sld [smem:$0x11];
	(tm) =	ssettm $0x1  }
0x97: {  	s18 =	sld [smem:$0x3FFB];
	_ =	sdelay $0x3  }
0x98: {  	_ =	strace s18  }
0x99: {  	s4 =	sld [smem:$0x3FFC];
	_ =	sdelay $0x3  }
0x9a: {  	_ =	strace s4  }
0x9b: {  	s4 =	sld [smem:$0x3FFD];
	_ =	sdelay $0x3  }
0x9c: {  	_ =	strace s4  }
0x9d: {  	_ =	strace $0x8FFFFFFF  }
0x9e: {  	s19 =	sld [smem:$0x3FDB];
	_ =	sdelay $0x1  }
0x9f: {  	s5 =	simm.s32 $_scs_section_size  }
0xa0: {  	s6 =	simm.s32 $_size__tile_overlayer_lowered;
	s7 =	simm.s32 $_tile_overlayer_lowered  }
0xa1: {  	s22 =	simm.s32 $0x1BFF;
	s21 =	sshll.u32 s7, $0x1;
	s4 =	sadd.s32 s5, s19  }
0xa2: {  	s8 =	simm.s32 $0x0;
	s20 =	sshll.u32 s6, $0x1;
	s6 =	sadd.s32 s21, s4  }
0xa3: {  	[timem:s8], [sflag:s22] =	dma.local [hbm:s6], s20  }
0xa4: {  	_ =	swait.ge [sflag:s22], s20  }
0xa5: {  	s5 =	ssub.s32 $0x0, s20;
	[sflag:s22] =	ssyncset.done $0x0  }
0xa6: {  	[sflag:s22] =	ssyncadd.s32 s5;
	_ =	sdelay $0x1  }
0xa7: {  	s23 =	simm.s32 $0x1B8B  }
0xa8: {  	_ =	swait.ge [sflag:s23], $0x1  }
0xa9: {  	[sflag:s23] =	ssyncset.done $0x0  }
0xaa: {  	s25 =	simm.s32 $0x1B8E;
	s24 =	sld [smem:$0x3FFE];
	[sflag:s23] =	ssyncadd.s32 $0xFFFFFFFF  }
0xab: {  	s26 =	simm.s32 $execute0_lowered;
	[smem:$0x3FD2] =	sst s25  }
0xac: {  	s6 =	sshll.u32 s26, $0x1;
	_ =	strace $0x80000046;
	[dreg:$0x1] =	wrdreg $0xFFFFFFFF  }
0xad: {  	s28 =	simm.s32 $_size_execute0_lowered;
	s4 =	sadd.s32 s4, s6;
	[dreg:$0x0] =	wrdreg $0x0  }
0xae: {  	s6 =	sshll.u32 s28, $0x1;
	[dreg:$0x2] =	wrdreg s4  }
0xaf: {  	[dreg:$0x3] =	wrdreg s6  }
0xb0: {  	[dreg:$0x4] =	wrdreg $0xC0  }
0xb1: {  	_ =	task [dreg:s8], $0x5FFFF  }
0xb2: {  	[dreg:$0x1] =	wrdreg $0xFFFFFFFF  }
0xb3: {  	[dreg:$0x0] =	wrdreg $0x60  }
0xb4: {  	[dreg:$0x2] =	wrdreg s24  }
0xb5: {  	[dreg:$0x3] =	wrdreg s17  }
0xb6: {  	[dreg:$0x4] =	wrdreg s16  }
0xb7: {  	[dreg:$0x5] =	wrdreg $0x0  }
0xb8: {  	[dreg:$0x6] =	wrdreg $0xA  }
0xb9: {  	_ =	task.clear_ibuf [dreg:s8], $0x7FFFF;
	_ =	strace $0x90000046  }
0xba: {  	s29 =	simm.s32 $0xA;
	_ =	strace $0x80000048  }
0xbb: {  	_ =	swait.ge [sflag:s29], $0x1  }
0xbc: {  	[sflag:s29] =	ssyncadd.s32 $0xFFFFFFFF  }
0xbd: {  	_ =	strace $0x90000048  }
0xbe: {  	_ =	sfence  }
0xbf: {  	s30 =	sld [smem:$0x0];
	_ =	sdelay $0x2  }
0xc0: {  	s31 =	sshll.u32 s1, $0xD;
	s1 =	sshrl.u32 s1, $0x2  }
0xc1: {  	s3 =	sand.u32 $0x4000, s31;
	s1 =	sadd.s32 s1, s30  }
0xc2: {  	s0 =	sor.u32 s3, s0;
	s1 =	sshll.u32 s1, $0x11  }
0xc3: {  	s0 =	sor.u32 s1, s0  }
0xc4: {  	s0 =	sadd.s32 $0x8F2B, s0  }
0xc5: {  	[sflag:s0] =	ssyncadd.remote.s32 $0x1  }
0xc6: {  	_ =	sfence.sel $0xFFFF  }
0xc7: {  	[dreg:$0x0] =	wrdreg $0xFFFFFFFF;
	(pc) =	sbr.abs _section_cstart, $3  }
0xc8: {  	[dreg:$0x1] =	wrdreg $0xFFFFFFFF  }
0xc9: {  	_ =	task.clear_ibuf [dreg:s8], $0x2FFFF;
	_ =	strace $0x9FFFFFFF  }
0xca: {  	(tm) =	ssettm $0x7FFFFFFF  }
0xcb: {  	_ =	shalt  }
tec
execute0_lowered:
.L_overlay_start_1:
0x0: {  	(tag) =	ssettag $0x1  }
0x1: {  	s0 =	rddreg [dreg:$0x0]  }
0x2: {  	s1 =	rddreg [dreg:$0x1]  }
0x3: {  	s5 =	rddreg [dreg:$0x2]  }
0x4: {  	s2 =	rddreg [dreg:$0x3]  }
0x5: {  	s9 =	stileid.u32;
	s4 =	srdreg.scid  }
0x6: {  	s3 =	simm.s32 $0x0;
	s28 =	simm.s32 $0x14080;
	s29 =	simm.s32 $0x18200  }
0x7: {  	s30 =	simm.s32 $0x18280;
	s31 =	simm.s32 $0x3;
	s6 =	smul.u32 $0x280, s9  }
0x8: {  	s7 =	sand.u32 $0x1, s4;
	[smem:$0x7FF] =	sst s3;
	s9 =	smul.u32 $0x4E20, s9  }
0x9: {  	s4 =	sadd.s32 $0x4600, s0;
	s26 =	sadd.s32 $0x54C00, s0;
	s8 =	smul.u32 $0x4E200, s7  }
0xa: {  	_ =	strace $0x80000047;
	s11 =	smul.u32 $0x2800, s7;
	s10 =	sshrl.u32 s6, $0x3  }
0xb: {  	[dreg:$0x5] =	wrdreg s26;
	s7 =	ssub.s32 $0x2, s7;
	s13 =	sadd.s32 s10, s0  }
0xc: {  	s9 =	sadd.s32 s9, s8;
	s6 =	sadd.s32 s6, s11;
	s10 =	sshrl.u32 s7, $0x1  }
0xd: {  	s14 =	sshrl.u32 s9, $0x3;
	s6 =	sshll.u32 s6, $0x4;
	s12 =	ssub.s32 s7, s10  }
0xe: {  	s18 =	sadd.s32 $0x54620, s13;
	s17 =	sadd.s32 $0x54630, s13;
	s10 =	sadd.s32 $0x54640, s13  }
0xf: {  	s25 =	sadd.s32 $0x80, s9;
	s7 =	simm.s32 $0x6;
	s9 =	simm.s32 $0x2  }
0x10: {  	s11 =	sadd.s32 $0x9C0, s14;
	s0 =	sadd.s32 s6, s0;
	s6 =	smax.u32 s12, $0x1  }
0x11: {  	s19 =	sadd.s32 s14, s5;
	s26 =	sshrl.u32 s25, $0x3;
	[dreg:$0x9] =	wrdreg s10  }
0x12: {  	s20 =	sadd.s32 s14, s1;
	s15 =	sadd.s32 s1, s11;
	[dreg:$0x8] =	wrdreg s6  }
0x13: {  	s14 =	smov.u32 s17;
	s16 =	sadd.s32 s5, s11;
	[dreg:$0x6] =	wrdreg s15  }
0x14: {  	s25 =	simm.s32 $0x14000;
	s21 =	sadd.s32 $0x55400, s0;
	[dreg:$0x7] =	wrdreg s16  }
0x15: {  	s17 =	simm.s32 $0x0;
	s22 =	sadd.s32 $0x55C00, s0;
	[dreg:$0xa] =	wrdreg s21  }
0x16: {  	s23 =	sadd.s32 $0x56400, s0;
	s24 =	sadd.s32 $0x56C00, s0;
	[dreg:$0xb] =	wrdreg s22  }
0x17: {  	s0 =	sadd.s32 $0x57400, s0;
	s6 =	simm.s32 $0x1;
	[dreg:$0xc] =	wrdreg s23  }
0x18: {  	s15 =	sadd.s32 $0x54600, s13;
	s16 =	sadd.s32 $0x54610, s13;
	[dreg:$0xd] =	wrdreg s24  }
0x19: {  	[dreg:$0xe] =	wrdreg s0;
	s21 =	sadd.s32 s26, s5;
	s22 =	sadd.s32 s26, s1  }
0x1a: {  	s23 =	simm.s32 $0x14200;
	s24 =	simm.s32 $0x7;
	s26 =	simm.s32 $0x80  }
0x1b: {  	s0 =	simm.s32 $0x5;
	s1 =	simm.s32 $0x18300;
	s5 =	simm.s32 $0x4  }
.LBB2_1:
0x1c: {  	s8 =	rddreg [dreg:$0x5]  }
0x1d: {  	[tilespmem:s23], [sflag:$0x7] =	stream.linear.gather [hbm4b:s8+s3], $0x4000, $0x38;
	[tilespmem:$0x1C300] =	vst v63  }
0x1e: {  	_ =	swait.ge [sflag:s24], $0x4000  }
0x1f: {  	[sflag:s24] =	ssyncset.done $0x0  }
0x20: {  	[sflag:s24] =	ssyncadd.s32 $0xFFFFC000  }
0x21: {  	[tilespmem:s25], [sflag:$0x7] =	stream.linear.gather [hbm4b:s15+s3], $0x80, $0x38;
	[tilespmem:$0x1C300] =	vst v63  }
0x22: {  	_ =	swait.ge [sflag:s24], $0x80  }
0x23: {  	[sflag:s24] =	ssyncset.done $0x0  }
0x24: {  	[sflag:s24] =	ssyncadd.s32 $0xFFFFFF80  }
0x25: {  	[spmem:s2] =	stream.indirect.scatter [tilespmem:s23], [sflag:$0x7], $0x80, s25, s26, $0xb8;
	[tilespmem:$0x1C300] =	vst v63  }
0x26: {  	_ =	swait.ge [sflag:s24], $0x4000  }
0x27: {  	[sflag:s24] =	ssyncset.done $0x0  }
0x28: {  	[sflag:s24] =	ssyncadd.s32 $0xFFFFC000  }
0x29: {  	[tilespmem:s25], [sflag:$0x7] =	stream.linear.gather [hbm4b:s16+s3], $0x80, $0x38;
	[tilespmem:$0x1C300] =	vst v63  }
0x2a: {  	_ =	swait.ge [sflag:s24], $0x80  }
0x2b: {  	[sflag:s24] =	ssyncset.done $0x0  }
0x2c: {  	[sflag:s24] =	ssyncadd.s32 $0xFFFFFF80  }
0x2d: {  	[spmem:s2] =	stream.indirect.scatter [tilespmem:s23], [sflag:$0x7], $0x80, s25, s26, $0xb8;
	[tilespmem:$0x1C300] =	vst v63  }
0x2e: {  	_ =	swait.ge [sflag:s24], $0x4000  }
0x2f: {  	[sflag:s24] =	ssyncset.done $0x0  }
0x30: {  	[sflag:s24] =	ssyncadd.s32 $0xFFFFC000  }
0x31: {  	[tilespmem:s25], [sflag:$0x7] =	stream.linear.gather [hbm4b:s18+s3], $0x80, $0x38;
	[tilespmem:$0x1C300] =	vst v63  }
0x32: {  	_ =	swait.ge [sflag:s24], $0x80  }
0x33: {  	[sflag:s24] =	ssyncset.done $0x0  }
0x34: {  	[sflag:s24] =	ssyncadd.s32 $0xFFFFFF80  }
0x35: {  	[spmem:s2] =	stream.indirect.scatter [tilespmem:s23], [sflag:$0x7], $0x80, s25, s26, $0xb8;
	[tilespmem:$0x1C300] =	vst v63  }
0x36: {  	_ =	swait.ge [sflag:s24], $0x4000  }
0x37: {  	[sflag:s24] =	ssyncset.done $0x0  }
0x38: {  	[sflag:s24] =	ssyncadd.s32 $0xFFFFC000  }
0x39: {  	[tilespmem:s25], [sflag:$0x7] =	stream.linear.gather [hbm4b:s14+s3], $0x80, $0x38;
	[tilespmem:$0x1C300] =	vst v63  }
0x3a: {  	_ =	swait.ge [sflag:s24], $0x80  }
0x3b: {  	[sflag:s24] =	ssyncset.done $0x0  }
0x3c: {  	[sflag:s24] =	ssyncadd.s32 $0xFFFFFF80  }
0x3d: {  	[spmem:s2] =	stream.indirect.scatter [tilespmem:s23], [sflag:$0x7], $0x80, s25, s26, $0xb8;
	[tilespmem:$0x1C300] =	vst v63  }
0x3e: {  	_ =	swait.ge [sflag:s24], $0x4000  }
0x3f: {  	[sflag:s24] =	ssyncset.done $0x0  }
0x40: {  	s8 =	smov.u32 s10;
	[sflag:s24] =	ssyncadd.s32 $0xFFFFC000  }
0x41: {  	[tilespmem:s25], [sflag:$0x7] =	stream.linear.gather [hbm4b:s8+s3], $0x80, $0x38;
	[tilespmem:$0x1C300] =	vst v63  }
0x42: {  	_ =	swait.ge [sflag:s24], $0x80  }
0x43: {  	[sflag:s24] =	ssyncset.done $0x0  }
0x44: {  	[sflag:s24] =	ssyncadd.s32 $0xFFFFFF80  }
0x45: {  	[spmem:s2] =	stream.indirect.scatter [tilespmem:s23], [sflag:$0x7], $0x80, s25, s26, $0xb8;
	[tilespmem:$0x1C300] =	vst v63  }
0x46: {  	_ =	swait.ge [sflag:s24], $0x4000  }
0x47: {  	[sflag:s24] =	ssyncset.done $0x0  }
0x48: {  	[sflag:s24] =	ssyncadd.s32 $0xFFFFC000  }
0x49: {  	s8 =	sadd.s32 $0x0, s20;
	[bflag:$0x0] =	sbarrier.arrive $0xFFFF  }
0x4a: {  	[tilespmem:s25], [sflag:$0x3] =	stream.linear.gather [hbm4b:s8+s3], $0x80, $0x38;
	[tilespmem:$0x1C300] =	vst v63  }
0x4b: {  	s10 =	smov.u32 s15;
	s15 =	sadd.s32 $0x0, s19  }
0x4c: {  	[tilespmem:s28], [sflag:$0x4] =	stream.linear.gather [hbm4b:s15+s3], $0x80, $0x38;
	[tilespmem:$0x1C300] =	vst v63  }
0x4d: {  	s11 =	smov.u32 s16;
	s16 =	sadd.s32 $0x0, s22  }
0x4e: {  	[tilespmem:s29], [sflag:$0x5] =	stream.linear.gather [hbm4b:s16+s3], $0x80, $0x38;
	[tilespmem:$0x1C300] =	vst v63  }
0x4f: {  	s12 =	smov.u32 s18;
	s18 =	sadd.s32 $0x0, s21  }
0x50: {  	[tilespmem:s30], [sflag:$0x6] =	stream.linear.gather [hbm4b:s18+s3], $0x80, $0x38;
	[tilespmem:$0x1C300] =	vst v63  }
0x51: {  	_ =	swait.ge [sflag:s31], $0x80  }
0x52: {  	[sflag:s31] =	ssyncset.done $0x0  }
0x53: {  	[sflag:s31] =	ssyncadd.s32 $0xFFFFFF80  }
0x54: {  	[tilespmem:s23], [sflag:$0x1] =	stream.indirect.gather [hbm4b:s4+s26], $0x80, s25, s26, $0xb8;
	[tilespmem:$0x1C300] =	vst v63  }
0x55: {  	_ =	swait.ge [sflag:s0], $0x80  }
0x56: {  	[sflag:s0] =	ssyncset.done $0x0  }
0x57: {  	[sflag:s0] =	ssyncadd.s32 $0xFFFFFF80  }
0x58: {  	[tilespmem:s1], [sflag:$0x2] =	stream.indirect.gather [hbm4b:s4+s26], $0x80, s29, s26, $0xb8;
	[tilespmem:$0x1C300] =	vst v63  }
0x59: {  	_ =	swait.ge [sflag:s5], $0x80  }
0x5a: {  	[sflag:s5] =	ssyncset.done $0x0  }
0x5b: {  	[sflag:s5] =	ssyncadd.s32 $0xFFFFFF80  }
0x5c: {  	_ =	swait.ge [sflag:s6], $0x4000  }
0x5d: {  	[sflag:s6] =	ssyncset.done $0x0  }
0x5e: {  	[sflag:s6] =	ssyncadd.s32 $0xFFFFC000  }
0x5f: {  	[spmem:s2] =	stream.indirect.scatter.add.f32 [tilespmem:s23], [sflag:$0x7], $0x80, s28, s26, $0xb8;
	[tilespmem:$0x1C300] =	vst v63  }
0x60: {  	_ =	swait.ge [sflag:s24], $0x4000  }
0x61: {  	[sflag:s24] =	ssyncset.done $0x0  }
0x62: {  	[sflag:s24] =	ssyncadd.s32 $0xFFFFC000  }
0x63: {  	_ =	swait.ge [sflag:s7], $0x80  }
0x64: {  	[sflag:s7] =	ssyncset.done $0x0  }
0x65: {  	[sflag:s7] =	ssyncadd.s32 $0xFFFFFF80  }
0x66: {  	_ =	swait.ge [sflag:s9], $0x4000  }
0x67: {  	[sflag:s9] =	ssyncset.done $0x0  }
0x68: {  	[sflag:s9] =	ssyncadd.s32 $0xFFFFC000  }
0x69: {  	[spmem:s2] =	stream.indirect.scatter.add.f32 [tilespmem:s1], [sflag:$0x7], $0x80, s30, s26, $0xb8;
	[tilespmem:$0x1C300] =	vst v63  }
0x6a: {  	s13 =	smov.u32 s14;
	_ =	swait.ge [sflag:s24], $0x4000  }
0x6b: {  	s14 =	simm.s32 $0x40;
	s18 =	simm.s32 $0x20;
	[sflag:s24] =	ssyncset.done $0x0  }
.LBB2_2:
0x6c: {  	s16 =	sadd.s32 s18, s20  }
0x6d: {  	[sflag:s24] =	ssyncadd.s32 $0xFFFFC000;
	s8 =	smov.u32 s14;
	s15 =	sadd.s32 $0x20, s14  }
0x6e: {  	[tilespmem:s25], [sflag:$0x3] =	stream.linear.gather [hbm4b:s16+s3], $0x80, $0x38;
	[tilespmem:$0x1C300] =	vst v63  }
0x6f: {  	p0 =	sne.s32 s14, $0x9A0;
	s14 =	sadd.s32 s18, s19  }
0x70: {  	[tilespmem:s28], [sflag:$0x4] =	stream.linear.gather [hbm4b:s14+s3], $0x80, $0x38;
	[tilespmem:$0x1C300] =	vst v63  }
0x71: {  	s14 =	sadd.s32 s18, s22  }
0x72: {  	[tilespmem:s29], [sflag:$0x5] =	stream.linear.gather [hbm4b:s14+s3], $0x80, $0x38;
	[tilespmem:$0x1C300] =	vst v63  }
0x73: {  	s14 =	sadd.s32 s18, s21;
	s18 =	smov.u32 s8  }
0x74: {  	[tilespmem:s30], [sflag:$0x6] =	stream.linear.gather [hbm4b:s14+s3], $0x80, $0x38;
	[tilespmem:$0x1C300] =	vst v63  }
0x75: {  	_ =	swait.ge [sflag:s31], $0x80  }
0x76: {  	[sflag:s31] =	ssyncset.done $0x0  }
0x77: {  	[sflag:s31] =	ssyncadd.s32 $0xFFFFFF80  }
0x78: {  	[tilespmem:s23], [sflag:$0x1] =	stream.indirect.gather [hbm4b:s4+s26], $0x80, s25, s26, $0xb8;
	[tilespmem:$0x1C300] =	vst v63  }
0x79: {  	_ =	swait.ge [sflag:s0], $0x80  }
0x7a: {  	[sflag:s0] =	ssyncset.done $0x0  }
0x7b: {  	[sflag:s0] =	ssyncadd.s32 $0xFFFFFF80  }
0x7c: {  	[tilespmem:s1], [sflag:$0x2] =	stream.indirect.gather [hbm4b:s4+s26], $0x80, s29, s26, $0xb8;
	[tilespmem:$0x1C300] =	vst v63  }
0x7d: {  	_ =	swait.ge [sflag:s5], $0x80  }
0x7e: {  	[sflag:s5] =	ssyncset.done $0x0  }
0x7f: {  	[sflag:s5] =	ssyncadd.s32 $0xFFFFFF80  }
0x80: {  	_ =	swait.ge [sflag:s6], $0x4000  }
0x81: {  	[sflag:s6] =	ssyncset.done $0x0  }
0x82: {  	[sflag:s6] =	ssyncadd.s32 $0xFFFFC000  }
0x83: {  	[spmem:s2] =	stream.indirect.scatter.add.f32 [tilespmem:s23], [sflag:$0x7], $0x80, s28, s26, $0xb8;
	[tilespmem:$0x1C300] =	vst v63  }
0x84: {  	_ =	swait.ge [sflag:s24], $0x4000  }
0x85: {  	[sflag:s24] =	ssyncset.done $0x0  }
0x86: {  	[sflag:s24] =	ssyncadd.s32 $0xFFFFC000  }
0x87: {  	_ =	swait.ge [sflag:s7], $0x80  }
0x88: {  	[sflag:s7] =	ssyncset.done $0x0  }
0x89: {  	[sflag:s7] =	ssyncadd.s32 $0xFFFFFF80  }
0x8a: {  	_ =	swait.ge [sflag:s9], $0x4000  }
.Ltmp0:
0x8b: {  	[sflag:s9] =	ssyncset.done $0x0;
	(pc) =	sbr.rel @p0 .LBB2_2-.Ltmp0, $4  }
0x8c: {  	[sflag:s9] =	ssyncadd.s32 $0xFFFFC000  }
0x8d: {  	[spmem:s2] =	stream.indirect.scatter.add.f32 [tilespmem:s1], [sflag:$0x7], $0x80, s30, s26, $0xb8;
	[tilespmem:$0x1C300] =	vst v63  }
0x8e: {  	_ =	swait.ge [sflag:s24], $0x4000  }
0x8f: {  	s14 =	smov.u32 s15;
	[sflag:s24] =	ssyncset.done $0x0  }
0x90: {  	s8 =	sadd.s32 s18, s20;
	[sflag:s24] =	ssyncadd.s32 $0xFFFFC000  }
0x91: {  	[tilespmem:s25], [sflag:$0x3] =	stream.linear.gather [hbm4b:s8+s3], $0x80, $0x38;
	[tilespmem:$0x1C300] =	vst v63  }
0x92: {  	s15 =	sadd.s32 s18, s19  }
0x93: {  	[tilespmem:s28], [sflag:$0x4] =	stream.linear.gather [hbm4b:s15+s3], $0x80, $0x38;
	[tilespmem:$0x1C300] =	vst v63  }
0x94: {  	s16 =	sadd.s32 s18, s22  }
0x95: {  	[tilespmem:s29], [sflag:$0x5] =	stream.linear.gather [hbm4b:s16+s3], $0x80, $0x38;
	[tilespmem:$0x1C300] =	vst v63  }
0x96: {  	s14 =	sadd.s32 s18, s21  }
0x97: {  	[tilespmem:s30], [sflag:$0x6] =	stream.linear.gather [hbm4b:s14+s3], $0x80, $0x38;
	[tilespmem:$0x1C300] =	vst v63  }
0x98: {  	_ =	swait.ge [sflag:s31], $0x80  }
0x99: {  	[sflag:s31] =	ssyncset.done $0x0  }
0x9a: {  	[sflag:s31] =	ssyncadd.s32 $0xFFFFFF80  }
0x9b: {  	[tilespmem:s23], [sflag:$0x1] =	stream.indirect.gather [hbm4b:s4+s26], $0x80, s25, s26, $0xb8;
	[tilespmem:$0x1C300] =	vst v63  }
0x9c: {  	_ =	swait.ge [sflag:s0], $0x80  }
0x9d: {  	[sflag:s0] =	ssyncset.done $0x0  }
0x9e: {  	[sflag:s0] =	ssyncadd.s32 $0xFFFFFF80  }
0x9f: {  	[tilespmem:s1], [sflag:$0x2] =	stream.indirect.gather [hbm4b:s4+s26], $0x80, s29, s26, $0xb8;
	[tilespmem:$0x1C300] =	vst v63  }
0xa0: {  	_ =	swait.ge [sflag:s5], $0x80  }
0xa1: {  	[sflag:s5] =	ssyncset.done $0x0  }
0xa2: {  	[sflag:s5] =	ssyncadd.s32 $0xFFFFFF80  }
0xa3: {  	_ =	swait.ge [sflag:s6], $0x4000  }
0xa4: {  	[sflag:s6] =	ssyncset.done $0x0  }
0xa5: {  	[sflag:s6] =	ssyncadd.s32 $0xFFFFC000  }
0xa6: {  	[spmem:s2] =	stream.indirect.scatter.add.f32 [tilespmem:s23], [sflag:$0x7], $0x80, s28, s26, $0xb8;
	[tilespmem:$0x1C300] =	vst v63  }
0xa7: {  	_ =	swait.ge [sflag:s24], $0x4000  }
0xa8: {  	[sflag:s24] =	ssyncset.done $0x0  }
0xa9: {  	[sflag:s24] =	ssyncadd.s32 $0xFFFFC000  }
0xaa: {  	_ =	swait.ge [sflag:s7], $0x80  }
0xab: {  	[sflag:s7] =	ssyncset.done $0x0  }
0xac: {  	[sflag:s7] =	ssyncadd.s32 $0xFFFFFF80  }
0xad: {  	_ =	swait.ge [sflag:s9], $0x4000  }
0xae: {  	[sflag:s9] =	ssyncset.done $0x0  }
0xaf: {  	[sflag:s9] =	ssyncadd.s32 $0xFFFFC000  }
0xb0: {  	[spmem:s2] =	stream.indirect.scatter.add.f32 [tilespmem:s1], [sflag:$0x7], $0x80, s30, s26, $0xb8;
	[tilespmem:$0x1C300] =	vst v63  }
0xb1: {  	_ =	swait.ge [sflag:s24], $0x4000  }
0xb2: {  	[sflag:s24] =	ssyncset.done $0x0  }
0xb3: {  	s14 =	simm.s32 $0x14100;
	s15 =	rddreg [dreg:$0x6];
	[sflag:s24] =	ssyncadd.s32 $0xFFFFC000  }
0xb4: {  	[tilespmem:s14], [sflag:$0x7] =	stream.linear.gather [hbm4b:s15+s3], $0x20, $0x38;
	[tilespmem:$0x1C300] =	vst v63  }
0xb5: {  	_ =	swait.ge [sflag:s24], $0x20  }
0xb6: {  	[sflag:s24] =	ssyncset.done $0x0  }
0xb7: {  	s15 =	simm.s32 $0x14180;
	s16 =	rddreg [dreg:$0x7];
	[sflag:s24] =	ssyncadd.s32 $0xFFFFFFE0  }
0xb8: {  	[tilespmem:s15], [sflag:$0x7] =	stream.linear.gather [hbm4b:s16+s3], $0x20, $0x38;
	[tilespmem:$0x1C300] =	vst v63  }
0xb9: {  	_ =	swait.ge [sflag:s24], $0x20  }
0xba: {  	[sflag:s24] =	ssyncset.done $0x0  }
0xbb: {  	s18 =	simm.s32 $0x20;
	[sflag:s24] =	ssyncadd.s32 $0xFFFFFFE0  }
0xbc: {  	[tilespmem:s23], [sflag:$0x1] =	stream.indirect.gather [hbm4b:s4+s18], $0x80, s14, s18, $0xb8;
	[tilespmem:$0x1C300] =	vst v63  }
0xbd: {  	_ =	swait.ge [sflag:s6], $0x1000  }
0xbe: {  	[sflag:s6] =	ssyncset.done $0x0  }
0xbf: {  	[sflag:s6] =	ssyncadd.s32 $0xFFFFF000  }
0xc0: {  	[spmem:s2] =	stream.indirect.scatter.add.f32 [tilespmem:s23], [sflag:$0x7], $0x80, s15, s18, $0xb8;
	[tilespmem:$0x1C300] =	vst v63  }
0xc1: {  	_ =	swait.ge [sflag:s24], $0x1000  }
0xc2: {  	[sflag:s24] =	ssyncset.done $0x0  }
0xc3: {  	[sflag:s24] =	ssyncadd.s32 $0xFFFFF000  }
0xc4: {  	[bflag:$0x0] =	sbarrier.arrive $0xFFFF  }
0xc5: {  	[tilespmem:s25], [sflag:$0x7] =	stream.linear.gather [hbm4b:s10+s3], $0x80, $0x38;
	[tilespmem:$0x1C300] =	vst v63  }
0xc6: {  	_ =	swait.ge [sflag:s24], $0x80  }
0xc7: {  	[sflag:s24] =	ssyncset.done $0x0  }
0xc8: {  	[sflag:s24] =	ssyncadd.s32 $0xFFFFFF80  }
0xc9: {  	[tilespmem:s23], [sflag:$0x1] =	stream.indirect.gather [spmem:s2], $0x80, s25, s26, $0xb8;
	[tilespmem:$0x1C300] =	vst v63  }
0xca: {  	_ =	swait.ge [sflag:s6], $0x4000  }
0xcb: {  	[sflag:s6] =	ssyncset.done $0x0  }
0xcc: {  	s16 =	rddreg [dreg:$0xa];
	[sflag:s6] =	ssyncadd.s32 $0xFFFFC000  }
0xcd: {  	[hbm4b:s16+s3] =	stream.linear.scatter [tilespmem:s23], [sflag:$0x7], $0x4000, $0x38;
	[tilespmem:$0x1C300] =	vst v63  }
0xce: {  	_ =	swait.ge [sflag:s24], $0x4000  }
0xcf: {  	[sflag:s24] =	ssyncset.done $0x0  }
0xd0: {  	[sflag:s24] =	ssyncadd.s32 $0xFFFFC000  }
0xd1: {  	[tilespmem:s25], [sflag:$0x7] =	stream.linear.gather [hbm4b:s11+s3], $0x80, $0x38;
	[tilespmem:$0x1C300] =	vst v63  }
0xd2: {  	_ =	swait.ge [sflag:s24], $0x80  }
0xd3: {  	[sflag:s24] =	ssyncset.done $0x0  }
0xd4: {  	[sflag:s24] =	ssyncadd.s32 $0xFFFFFF80  }
0xd5: {  	[tilespmem:s23], [sflag:$0x1] =	stream.indirect.gather [spmem:s2], $0x80, s25, s26, $0xb8;
	[tilespmem:$0x1C300] =	vst v63  }
0xd6: {  	_ =	swait.ge [sflag:s6], $0x4000  }
0xd7: {  	[sflag:s6] =	ssyncset.done $0x0  }
0xd8: {  	s18 =	rddreg [dreg:$0xb];
	[sflag:s6] =	ssyncadd.s32 $0xFFFFC000  }
0xd9: {  	[hbm4b:s18+s3] =	stream.linear.scatter [tilespmem:s23], [sflag:$0x7], $0x4000, $0x38;
	[tilespmem:$0x1C300] =	vst v63  }
0xda: {  	_ =	swait.ge [sflag:s24], $0x4000  }
0xdb: {  	[sflag:s24] =	ssyncset.done $0x0  }
0xdc: {  	[sflag:s24] =	ssyncadd.s32 $0xFFFFC000  }
0xdd: {  	[tilespmem:s25], [sflag:$0x7] =	stream.linear.gather [hbm4b:s12+s3], $0x80, $0x38;
	[tilespmem:$0x1C300] =	vst v63  }
0xde: {  	_ =	swait.ge [sflag:s24], $0x80  }
0xdf: {  	[sflag:s24] =	ssyncset.done $0x0  }
0xe0: {  	[sflag:s24] =	ssyncadd.s32 $0xFFFFFF80  }
0xe1: {  	[tilespmem:s23], [sflag:$0x1] =	stream.indirect.gather [spmem:s2], $0x80, s25, s26, $0xb8;
	[tilespmem:$0x1C300] =	vst v63  }
0xe2: {  	_ =	swait.ge [sflag:s6], $0x4000  }
0xe3: {  	[sflag:s6] =	ssyncset.done $0x0  }
0xe4: {  	s15 =	smov.u32 s10;
	s10 =	rddreg [dreg:$0xc];
	[sflag:s6] =	ssyncadd.s32 $0xFFFFC000  }
0xe5: {  	[hbm4b:s10+s3] =	stream.linear.scatter [tilespmem:s23], [sflag:$0x7], $0x4000, $0x38;
	[tilespmem:$0x1C300] =	vst v63  }
0xe6: {  	_ =	swait.ge [sflag:s24], $0x4000  }
0xe7: {  	[sflag:s24] =	ssyncset.done $0x0  }
0xe8: {  	[sflag:s24] =	ssyncadd.s32 $0xFFFFC000  }
0xe9: {  	[tilespmem:s25], [sflag:$0x7] =	stream.linear.gather [hbm4b:s13+s3], $0x80, $0x38;
	[tilespmem:$0x1C300] =	vst v63  }
0xea: {  	_ =	swait.ge [sflag:s24], $0x80  }
0xeb: {  	[sflag:s24] =	ssyncset.done $0x0  }
0xec: {  	[sflag:s24] =	ssyncadd.s32 $0xFFFFFF80  }
0xed: {  	[tilespmem:s23], [sflag:$0x1] =	stream.indirect.gather [spmem:s2], $0x80, s25, s26, $0xb8;
	[tilespmem:$0x1C300] =	vst v63  }
0xee: {  	_ =	swait.ge [sflag:s6], $0x4000  }
0xef: {  	[sflag:s6] =	ssyncset.done $0x0  }
0xf0: {  	s16 =	smov.u32 s11;
	s11 =	rddreg [dreg:$0xd];
	[sflag:s6] =	ssyncadd.s32 $0xFFFFC000  }
0xf1: {  	[hbm4b:s11+s3] =	stream.linear.scatter [tilespmem:s23], [sflag:$0x7], $0x4000, $0x38;
	[tilespmem:$0x1C300] =	vst v63  }
0xf2: {  	_ =	swait.ge [sflag:s24], $0x4000  }
0xf3: {  	[sflag:s24] =	ssyncset.done $0x0  }
0xf4: {  	s10 =	rddreg [dreg:$0x9];
	[sflag:s24] =	ssyncadd.s32 $0xFFFFC000  }
0xf5: {  	[tilespmem:s25], [sflag:$0x7] =	stream.linear.gather [hbm4b:s10+s3], $0x80, $0x38;
	[tilespmem:$0x1C300] =	vst v63  }
0xf6: {  	_ =	swait.ge [sflag:s24], $0x80  }
0xf7: {  	[sflag:s24] =	ssyncset.done $0x0  }
0xf8: {  	[sflag:s24] =	ssyncadd.s32 $0xFFFFFF80  }
0xf9: {  	[tilespmem:s23], [sflag:$0x1] =	stream.indirect.gather [spmem:s2], $0x80, s25, s26, $0xb8;
	[tilespmem:$0x1C300] =	vst v63  }
0xfa: {  	_ =	swait.ge [sflag:s6], $0x4000  }
0xfb: {  	[sflag:s6] =	ssyncset.done $0x0  }
0xfc: {  	s18 =	smov.u32 s12;
	s12 =	rddreg [dreg:$0xe];
	[sflag:s6] =	ssyncadd.s32 $0xFFFFC000  }
0xfd: {  	[hbm4b:s12+s3] =	stream.linear.scatter [tilespmem:s23], [sflag:$0x7], $0x4000, $0x38;
	[tilespmem:$0x1C300] =	vst v63  }
0xfe: {  	_ =	swait.ge [sflag:s24], $0x4000  }
0xff: {  	s17 =	sadd.s32 $0x1, s17;
	s14 =	smov.u32 s13;
	s13 =	rddreg [dreg:$0x8]  }
0x100: {  	p0 =	sne.s32 s17, s13  }
.Ltmp1:
0x101: {  	_ = 	snop;
	(pc) =	sbr.rel @p0 .LBB2_1-.Ltmp1, $3  }
0x102: {  	_ =	sdelay $0x1  }
0x103: {  	[sflag:s24] =	ssyncset.done $0x0  }
0x104: {  	[sflag:s24] =	ssyncadd.s32 $0xFFFFC000  }
0x105: {  	_ =	sfence.sel $0x180000  }
0x106: {  	[bflag:$0x0] =	sbarrier.arrive $0xFFFF  }
0x107: {  	_ =	strace $0x90000047  }
0x108: {  	s0 =	stileid.u32;
	[bflag:$0x2] =	sbarrier.arrive $0xFFFF  }
0x109: {  	p0 =	sne.s32 s0, $0x0;
	s0 =	rddreg [dreg:$0x4]  }
0x10a: {  	s0 =	sadd.s32 @!p0 $0x100000, s0  }
0x10b: {  	[sflag:s0] =	ssyncadd.tile.s32 @!p0 $0x1;
	_ =	shalt  }
.Lfunc_end2:
_tile_overlayer_lowered:
.L_overlay_start_2:
0x10c: {  	(tag) =	ssettag $0x2  }
0x10d: {  	s0 =	rddreg [dreg:$0x0];
	s2 =	stileid.u32  }
0x10e: {  	s1 =	rddreg [dreg:$0x1];
	p0 =	sne.s32 s2, $0x0  }
0x10f: {  	s3 =	rddreg [dreg:$0x2];
	[bflag:$0x3] =	sbarrier.arrive $0xFFFF;
	s2 =	simm.s32 @!p0 $0x1C07  }
0x110: {  	[timem:s3], [sflag:s2] =	dma.local @!p0 [hbm:s0], s1  }
0x111: {  	s0 =	simm.s32 @!p0 $0x7  }
0x112: {  	_ =	swait.ge @!p0 [sflag:s0], s1  }
0x113: {  	s1 =	ssub.s32 @!p0 $0x0, s1;
	[sflag:s0] =	ssyncset.done @!p0 $0x0  }
0x114: {  	[sflag:s0] =	ssyncadd.s32 @!p0 s1  }
0x115: {  	[bflag:$0x3] =	sbarrier.arrive $0xFFFF  }
0x116: {  	_ =	shalt  }

// kernel: kernel.13.cloned.1.call-start
scs
__scs_entry_jumppad:
0x0: {  	(pc) =	sbr.rel $0x88, $3  }
0x1: {  	(tag) =	ssettag $0x0;
	lr =	simm.s32 $0x1  }
0x2: {  	[smem:$0x3F89] =	sst lr;
	_ =	strace $0xD0000000  }
0x3: {  	_ = 	snop  }
0x4: {  	_ = 	snop  }
0x5: {  	_ = 	snop  }
0x6: {  	_ = 	snop  }
0x7: {  	_ = 	snop  }
__scs_overlays_trampoline_lowered:
0x8: {  	[smem:$0x3F98] =	sst s0  }
0x9: {  	[smem:$0x3F99] =	sst s1  }
0xa: {  	[smem:$0x3F9A] =	sst s2  }
0xb: {  	[smem:$0x3F9B] =	sst s3  }
0xc: {  	[smem:$0x3F9C] =	sst s4  }
0xd: {  	[smem:$0x3F9D] =	sst s5  }
0xe: {  	[smem:$0x3F9E] =	sst s6  }
0xf: {  	[smem:$0x3F9F] =	sst s7  }
0x10: {  	[smem:$0x3FA0] =	sst s8  }
0x11: {  	[smem:$0x3FA1] =	sst s9;
	s0 =	simm.s32 @!p0 $0x0  }
0x12: {  	s1 =	sld [smem:$0x3F87];
	s0 =	simm.s32 @p0 $0x1  }
0x13: {  	[smem:$0x3FA2] =	sst s0;
	s0 =	simm.s32 @!p1 $0x0  }
0x14: {  	s2 =	sld [smem:$0x3F86];
	s0 =	simm.s32 @p1 $0x1  }
0x15: {  	[smem:$0x3FA3] =	sst s0;
	s0 =	simm.s32 @!p2 $0x0  }
0x16: {  	s3 =	sld [smem:$0x3FDB];
	s0 =	simm.s32 @p2 $0x1  }
0x17: {  	s4 =	simm.s32 $0x1BF5;
	[smem:$0x3FA5] =	sst s0  }
0x18: {  	s0 =	sld [smem:$0x3F88];
	_ =	swait.ge [sflag:s4], $0x0  }
0x19: {  	s7 =	sld [smem:$0x3F89]  }
0x1a: {  	s8 =	sadd.s32 $0xFFFFE003, lr  }
0x1b: {  	s9 =	sadd.s32 $0xFFFFFEF7, lr;
	s5 =	simm.s32 $0xFFFFFFFF;
	p2 =	slt.u32 s8, $0xFFFFF086  }
0x1c: {  	p1 =	slt.u32 s9, $0xF7A;
	s5 =	simm.s32 @!p2 $0x0  }
0x1d: {  	s5 =	simm.s32 @p1 $0x1;
	p0 =	seq.s32 s7, s2  }
0x1e: {  	s7 =	smul.u32 @!p0 $0xF7A, s2;
	p2 =	seq.s32 @!p0 s5, $0x0  }
0x1f: {  	s9 =	smul.u32 $0xF7A, s1;
	s8 =	simm.s32 @!p0 $0x1BF5;
	p2 =	por !p2, p0  }
0x20: {  	[sflag:s8] =	ssyncset.s32 @!p0 $0xFFFFF086;
	s6 =	sadd.s32 @!p0 s3, s7;
	s7 =	simm.s32 @!p0 $0x108  }
0x21: {  	s3 =	sadd.s32 s3, s9;
	s6 =	sadd.s32 @!p0 $0x88, s6;
	s7 =	simm.s32 @p2 $0x1082  }
0x22: {  	[simem:s7], [sflag:s8] =	dma.local @!p0 [hbm:s6], $0xF7A  }
0x23: {  	s9 =	sor.u32 $0xD0000000, s2;
	s6 =	simm.s32 $0x108;
	_ =	swait.ge @!p0 [sflag:s8], $0x0  }
0x24: {  	s3 =	sadd.s32 $0x88, s3;
	s6 =	simm.s32 @!p1 $0x1082;
	[sflag:s4] =	ssyncset.s32 $0xFFFFF086  }
0x25: {  	[simem:s6], [sflag:s4] =	dma.local [hbm:s3], $0xF7A  }
0x26: {  	[smem:$0x3F89] =	sst s1;
	(tag) =	ssettag s2;
	_ =	strace s9  }
0x27: {  	s1 =	sld [smem:$0x3F99]  }
0x28: {  	s2 =	sld [smem:$0x3F9A]  }
0x29: {  	s4 =	sld [smem:$0x3F9C]  }
0x2a: {  	p0 =	seq.s32 s5, $0x0;
	s5 =	sld [smem:$0x3F9D]  }
0x2b: {  	s6 =	sld [smem:$0x3F9E]  }
0x2c: {  	s7 =	sld [smem:$0x3F9F]  }
0x2d: {  	s3 =	simm.s32 $0x108;
	s8 =	sld [smem:$0x3FA0]  }
0x2e: {  	s3 =	simm.s32 @!p0 $0x1082;
	s9 =	sld [smem:$0x3FA1]  }
0x2f: {  	lr =	sadd.s32 s0, s3;
	s0 =	sld [smem:$0x3F98]  }
0x30: {  	s3 =	sld [smem:$0x3F9B]  }
0x31: {  	[smem:$0x3FA4] =	sst s10  }
0x32: {  	s10 =	sld [smem:$0x3FA2];
	_ =	sdelay $0x3  }
0x33: {  	p0 =	seq.s32 s10, $0x1;
	s10 =	sld [smem:$0x3FA4];
	_ =	sdelay $0x3  }
0x34: {  	[smem:$0x3FA4] =	sst s10  }
0x35: {  	s10 =	sld [smem:$0x3FA3];
	_ =	sdelay $0x3  }
0x36: {  	p1 =	seq.s32 s10, $0x1;
	s10 =	sld [smem:$0x3FA4];
	_ =	sdelay $0x3  }
0x37: {  	[smem:$0x3FA4] =	sst s10  }
0x38: {  	s10 =	sld [smem:$0x3FA5]  }
0x39: {  	_ = 	snop;
	(pc) =	sbr.ind lr, $3  }
0x3a: {  	_ = 	snop  }
0x3b: {  	_ = 	snop  }
0x3c: {  	p2 =	seq.s32 s10, $0x1;
	s10 =	sld [smem:$0x3FA4]  }
0x3d: {  	_ =	shalt  }
0x3e: {  	_ =	shalt  }
0x3f: {  	_ =	shalt  }
0x40: {  	_ =	shalt  }
0x41: {  	_ =	shalt  }
0x42: {  	_ =	shalt  }
0x43: {  	_ =	shalt  }
0x44: {  	_ =	shalt  }
0x45: {  	_ =	shalt  }
0x46: {  	_ =	shalt  }
0x47: {  	_ =	shalt  }
0x48: {  	_ =	shalt  }
0x49: {  	_ =	shalt  }
0x4a: {  	_ =	shalt  }
0x4b: {  	_ =	shalt  }
0x4c: {  	_ =	shalt  }
0x4d: {  	_ =	shalt  }
0x4e: {  	_ =	shalt  }
0x4f: {  	_ =	shalt  }
0x50: {  	_ =	shalt  }
0x51: {  	_ =	shalt  }
0x52: {  	_ =	shalt  }
0x53: {  	_ =	shalt  }
0x54: {  	_ =	shalt  }
0x55: {  	_ =	shalt  }
0x56: {  	_ =	shalt  }
0x57: {  	_ =	shalt  }
0x58: {  	_ =	shalt  }
0x59: {  	_ =	shalt  }
0x5a: {  	_ =	shalt  }
0x5b: {  	_ =	shalt  }
0x5c: {  	_ =	shalt  }
0x5d: {  	_ =	shalt  }
0x5e: {  	_ =	shalt  }
0x5f: {  	_ =	shalt  }
0x60: {  	_ =	shalt  }
0x61: {  	_ =	shalt  }
0x62: {  	_ =	shalt  }
0x63: {  	_ =	shalt  }
0x64: {  	_ =	shalt  }
0x65: {  	_ =	shalt  }
0x66: {  	_ =	shalt  }
0x67: {  	_ =	shalt  }
0x68: {  	_ =	shalt  }
0x69: {  	_ =	shalt  }
0x6a: {  	_ =	shalt  }
0x6b: {  	_ =	shalt  }
0x6c: {  	_ =	shalt  }
0x6d: {  	_ =	shalt  }
0x6e: {  	_ =	shalt  }
0x6f: {  	_ =	shalt  }
0x70: {  	_ =	shalt  }
0x71: {  	_ =	shalt  }
0x72: {  	_ =	shalt  }
0x73: {  	_ =	shalt  }
0x74: {  	_ =	shalt  }
0x75: {  	_ =	shalt  }
0x76: {  	_ =	shalt  }
0x77: {  	_ =	shalt  }
0x78: {  	_ =	shalt  }
0x79: {  	_ =	shalt  }
0x7a: {  	_ =	shalt  }
0x7b: {  	_ =	shalt  }
0x7c: {  	_ =	shalt  }
0x7d: {  	_ =	shalt  }
0x7e: {  	_ =	shalt  }
0x7f: {  	_ =	shalt  }
0x80: {  	_ =	shalt  }
0x81: {  	_ =	shalt  }
0x82: {  	_ =	shalt  }
0x83: {  	_ =	shalt  }
0x84: {  	_ =	shalt  }
0x85: {  	_ =	shalt  }
0x86: {  	_ =	shalt  }
0x87: {  	_ =	shalt  }
.Lfunc_end0:
.L_simem_size_0:
called_computation.2_lowered:
.L_overlay_start_0:
0x88: {  	s2 =	sld [smem:$0x3FD9]  }
0x89: {  	s3 =	sld [smem:$0x3FFE];
	_ =	sdelay $0x1  }
0x8a: {  	s1 =	srdreg.scid  }
0x8b: {  	s0 =	sand.u32 $0x1, s1  }
0x8c: {  	s14 =	sshll.u32 s0, $0xA;
	s2 =	sadd.s32 s3, s2  }
0x8d: {  	s2 =	sadd.s32 s2, s14  }
0x8e: {  	[smem:$0x3FB0] =	sst s2  }
0x8f: {  	_ = 	snop  }
0x90: {  	s2 =	sld [smem:$0x3FD0];
	_ =	sdelay $0x2  }
0x91: {  	s15 =	simm.s32 $0xB;
	s4 =	simm.s32 $0x10  }
0x92: {  	[smem:s4], [sflag:s15] =	dma.local [hbm:s2], $0x1  }
0x93: {  	_ =	swait.eq [sflag:s15], $0x1  }
0x94: {  	[sflag:s15] =	ssyncset.done $0x0  }
0x95: {  	s16 =	sld [smem:$0x10];
	[sflag:s15] =	ssyncadd.s32 $0xFFFFFFFF  }
0x96: {  	s17 =	sld [smem:$0x11];
	(tm) =	ssettm $0x1  }
0x97: {  	s18 =	sld [smem:$0x3FFB];
	_ =	sdelay $0x3  }
0x98: {  	_ =	strace s18  }
0x99: {  	s4 =	sld [smem:$0x3FFC];
	_ =	sdelay $0x3  }
0x9a: {  	_ =	strace s4  }
0x9b: {  	s4 =	sld [smem:$0x3FFD];
	_ =	sdelay $0x3  }
0x9c: {  	_ =	strace s4  }
0x9d: {  	_ =	strace $0x8FFFFFFF  }
0x9e: {  	s19 =	sld [smem:$0x3FDB];
	_ =	sdelay $0x1  }
0x9f: {  	s5 =	simm.s32 $_scs_section_size  }
0xa0: {  	s6 =	simm.s32 $_size__tile_overlayer_lowered;
	s7 =	simm.s32 $_tile_overlayer_lowered  }
0xa1: {  	s22 =	simm.s32 $0x1BFF;
	s21 =	sshll.u32 s7, $0x1;
	s4 =	sadd.s32 s5, s19  }
0xa2: {  	s8 =	simm.s32 $0x0;
	s20 =	sshll.u32 s6, $0x1;
	s6 =	sadd.s32 s21, s4  }
0xa3: {  	[timem:s8], [sflag:s22] =	dma.local [hbm:s6], s20  }
0xa4: {  	_ =	swait.ge [sflag:s22], s20  }
0xa5: {  	s5 =	ssub.s32 $0x0, s20;
	[sflag:s22] =	ssyncset.done $0x0  }
0xa6: {  	[sflag:s22] =	ssyncadd.s32 s5;
	_ =	sdelay $0x1  }
0xa7: {  	s23 =	simm.s32 $0x1B8B  }
0xa8: {  	_ =	swait.ge [sflag:s23], $0x1  }
0xa9: {  	[sflag:s23] =	ssyncset.done $0x0  }
0xaa: {  	s25 =	simm.s32 $0x1B8E;
	s24 =	sld [smem:$0x3FFE];
	[sflag:s23] =	ssyncadd.s32 $0xFFFFFFFF  }
0xab: {  	s26 =	simm.s32 $execute0_lowered;
	[smem:$0x3FD2] =	sst s25  }
0xac: {  	s6 =	sshll.u32 s26, $0x1;
	_ =	strace $0x8000004C;
	[dreg:$0x1] =	wrdreg $0xFFFFFFFF  }
0xad: {  	s28 =	simm.s32 $_size_execute0_lowered;
	s4 =	sadd.s32 s4, s6;
	[dreg:$0x0] =	wrdreg $0x0  }
0xae: {  	s6 =	sshll.u32 s28, $0x1;
	[dreg:$0x2] =	wrdreg s4  }
0xaf: {  	[dreg:$0x3] =	wrdreg s6  }
0xb0: {  	[dreg:$0x4] =	wrdreg $0xC0  }
0xb1: {  	_ =	task [dreg:s8], $0x5FFFF  }
0xb2: {  	[dreg:$0x1] =	wrdreg $0xFFFFFFFF  }
0xb3: {  	[dreg:$0x0] =	wrdreg $0x60  }
0xb4: {  	[dreg:$0x2] =	wrdreg s24  }
0xb5: {  	[dreg:$0x3] =	wrdreg s17  }
0xb6: {  	[dreg:$0x4] =	wrdreg s16  }
0xb7: {  	[dreg:$0x5] =	wrdreg $0x0  }
0xb8: {  	[dreg:$0x6] =	wrdreg $0x9  }
0xb9: {  	_ =	task.clear_ibuf [dreg:s8], $0x7FFFF;
	_ =	strace $0x9000004C  }
0xba: {  	s29 =	simm.s32 $0x9;
	_ =	strace $0x8000004E  }
0xbb: {  	_ =	swait.ge [sflag:s29], $0x1  }
0xbc: {  	[sflag:s29] =	ssyncadd.s32 $0xFFFFFFFF  }
0xbd: {  	_ =	strace $0x9000004E  }
0xbe: {  	_ =	sfence  }
0xbf: {  	s30 =	sld [smem:$0x0];
	_ =	sdelay $0x2  }
0xc0: {  	s31 =	sshll.u32 s1, $0xD;
	s1 =	sshrl.u32 s1, $0x2  }
0xc1: {  	s3 =	sand.u32 $0x4000, s31;
	s1 =	sadd.s32 s1, s30  }
0xc2: {  	s0 =	sor.u32 s3, s0;
	s1 =	sshll.u32 s1, $0x11  }
0xc3: {  	s0 =	sor.u32 s1, s0  }
0xc4: {  	s0 =	sadd.s32 $0x8F2B, s0  }
0xc5: {  	[sflag:s0] =	ssyncadd.remote.s32 $0x1  }
0xc6: {  	_ =	sfence.sel $0xFFFF  }
0xc7: {  	[dreg:$0x0] =	wrdreg $0xFFFFFFFF;
	(pc) =	sbr.abs _section_cstart, $3  }
0xc8: {  	[dreg:$0x1] =	wrdreg $0xFFFFFFFF  }
0xc9: {  	_ =	task.clear_ibuf [dreg:s8], $0x2FFFF;
	_ =	strace $0x9FFFFFFF  }
0xca: {  	(tm) =	ssettm $0x7FFFFFFF  }
0xcb: {  	_ =	shalt  }
tec
execute0_lowered:
.L_overlay_start_1:
0x0: {  	(tag) =	ssettag $0x1  }
0x1: {  	s0 =	rddreg [dreg:$0x0]  }
0x2: {  	s1 =	rddreg [dreg:$0x1]  }
0x3: {  	s5 =	rddreg [dreg:$0x2]  }
0x4: {  	s2 =	rddreg [dreg:$0x3]  }
0x5: {  	s9 =	stileid.u32;
	s4 =	srdreg.scid  }
0x6: {  	s3 =	simm.s32 $0x0;
	s28 =	simm.s32 $0x14080;
	s29 =	simm.s32 $0x18200  }
0x7: {  	s30 =	simm.s32 $0x18280;
	s31 =	simm.s32 $0x3;
	s6 =	smul.u32 $0x280, s9  }
0x8: {  	s7 =	sand.u32 $0x1, s4;
	[smem:$0x7FF] =	sst s3;
	s9 =	smul.u32 $0x4E20, s9  }
0x9: {  	s4 =	sadd.s32 $0x4600, s0;
	s26 =	sadd.s32 $0x54C00, s0;
	s8 =	smul.u32 $0x4E200, s7  }
0xa: {  	_ =	strace $0x8000004D;
	s11 =	smul.u32 $0x2800, s7;
	s10 =	sshrl.u32 s6, $0x3  }
0xb: {  	[dreg:$0x5] =	wrdreg s26;
	s7 =	ssub.s32 $0x2, s7;
	s13 =	sadd.s32 s10, s0  }
0xc: {  	s9 =	sadd.s32 s9, s8;
	s6 =	sadd.s32 s6, s11;
	s10 =	sshrl.u32 s7, $0x1  }
0xd: {  	s14 =	sshrl.u32 s9, $0x3;
	s6 =	sshll.u32 s6, $0x4;
	s12 =	ssub.s32 s7, s10  }
0xe: {  	s18 =	sadd.s32 $0x54620, s13;
	s17 =	sadd.s32 $0x54630, s13;
	s10 =	sadd.s32 $0x54640, s13  }
0xf: {  	s25 =	sadd.s32 $0x80, s9;
	s7 =	simm.s32 $0x6;
	s9 =	simm.s32 $0x2  }
0x10: {  	s11 =	sadd.s32 $0x9C0, s14;
	s0 =	sadd.s32 s6, s0;
	s6 =	smax.u32 s12, $0x1  }
0x11: {  	s19 =	sadd.s32 s14, s5;
	s26 =	sshrl.u32 s25, $0x3;
	[dreg:$0x9] =	wrdreg s10  }
0x12: {  	s20 =	sadd.s32 s14, s1;
	s15 =	sadd.s32 s1, s11;
	[dreg:$0x8] =	wrdreg s6  }
0x13: {  	s14 =	smov.u32 s17;
	s16 =	sadd.s32 s5, s11;
	[dreg:$0x6] =	wrdreg s15  }
0x14: {  	s25 =	simm.s32 $0x14000;
	s21 =	sadd.s32 $0x55400, s0;
	[dreg:$0x7] =	wrdreg s16  }
0x15: {  	s17 =	simm.s32 $0x0;
	s22 =	sadd.s32 $0x55C00, s0;
	[dreg:$0xa] =	wrdreg s21  }
0x16: {  	s23 =	sadd.s32 $0x56400, s0;
	s24 =	sadd.s32 $0x56C00, s0;
	[dreg:$0xb] =	wrdreg s22  }
0x17: {  	s0 =	sadd.s32 $0x57400, s0;
	s6 =	simm.s32 $0x1;
	[dreg:$0xc] =	wrdreg s23  }
0x18: {  	s15 =	sadd.s32 $0x54600, s13;
	s16 =	sadd.s32 $0x54610, s13;
	[dreg:$0xd] =	wrdreg s24  }
0x19: {  	[dreg:$0xe] =	wrdreg s0;
	s21 =	sadd.s32 s26, s5;
	s22 =	sadd.s32 s26, s1  }
0x1a: {  	s23 =	simm.s32 $0x14200;
	s24 =	simm.s32 $0x7;
	s26 =	simm.s32 $0x80  }
0x1b: {  	s0 =	simm.s32 $0x5;
	s1 =	simm.s32 $0x18300;
	s5 =	simm.s32 $0x4  }
.LBB2_1:
0x1c: {  	s8 =	rddreg [dreg:$0x5]  }
0x1d: {  	[tilespmem:s23], [sflag:$0x7] =	stream.linear.gather [hbm4b:s8+s3], $0x4000, $0x38;
	[tilespmem:$0x1C300] =	vst v63  }
0x1e: {  	_ =	swait.ge [sflag:s24], $0x4000  }
0x1f: {  	[sflag:s24] =	ssyncset.done $0x0  }
0x20: {  	[sflag:s24] =	ssyncadd.s32 $0xFFFFC000  }
0x21: {  	[tilespmem:s25], [sflag:$0x7] =	stream.linear.gather [hbm4b:s15+s3], $0x80, $0x38;
	[tilespmem:$0x1C300] =	vst v63  }
0x22: {  	_ =	swait.ge [sflag:s24], $0x80  }
0x23: {  	[sflag:s24] =	ssyncset.done $0x0  }
0x24: {  	[sflag:s24] =	ssyncadd.s32 $0xFFFFFF80  }
0x25: {  	[spmem:s2] =	stream.indirect.scatter [tilespmem:s23], [sflag:$0x7], $0x80, s25, s26, $0xb8;
	[tilespmem:$0x1C300] =	vst v63  }
0x26: {  	_ =	swait.ge [sflag:s24], $0x4000  }
0x27: {  	[sflag:s24] =	ssyncset.done $0x0  }
0x28: {  	[sflag:s24] =	ssyncadd.s32 $0xFFFFC000  }
0x29: {  	[tilespmem:s25], [sflag:$0x7] =	stream.linear.gather [hbm4b:s16+s3], $0x80, $0x38;
	[tilespmem:$0x1C300] =	vst v63  }
0x2a: {  	_ =	swait.ge [sflag:s24], $0x80  }
0x2b: {  	[sflag:s24] =	ssyncset.done $0x0  }
0x2c: {  	[sflag:s24] =	ssyncadd.s32 $0xFFFFFF80  }
0x2d: {  	[spmem:s2] =	stream.indirect.scatter [tilespmem:s23], [sflag:$0x7], $0x80, s25, s26, $0xb8;
	[tilespmem:$0x1C300] =	vst v63  }
0x2e: {  	_ =	swait.ge [sflag:s24], $0x4000  }
0x2f: {  	[sflag:s24] =	ssyncset.done $0x0  }
0x30: {  	[sflag:s24] =	ssyncadd.s32 $0xFFFFC000  }
0x31: {  	[tilespmem:s25], [sflag:$0x7] =	stream.linear.gather [hbm4b:s18+s3], $0x80, $0x38;
	[tilespmem:$0x1C300] =	vst v63  }
0x32: {  	_ =	swait.ge [sflag:s24], $0x80  }
0x33: {  	[sflag:s24] =	ssyncset.done $0x0  }
0x34: {  	[sflag:s24] =	ssyncadd.s32 $0xFFFFFF80  }
0x35: {  	[spmem:s2] =	stream.indirect.scatter [tilespmem:s23], [sflag:$0x7], $0x80, s25, s26, $0xb8;
	[tilespmem:$0x1C300] =	vst v63  }
0x36: {  	_ =	swait.ge [sflag:s24], $0x4000  }
0x37: {  	[sflag:s24] =	ssyncset.done $0x0  }
0x38: {  	[sflag:s24] =	ssyncadd.s32 $0xFFFFC000  }
0x39: {  	[tilespmem:s25], [sflag:$0x7] =	stream.linear.gather [hbm4b:s14+s3], $0x80, $0x38;
	[tilespmem:$0x1C300] =	vst v63  }
0x3a: {  	_ =	swait.ge [sflag:s24], $0x80  }
0x3b: {  	[sflag:s24] =	ssyncset.done $0x0  }
0x3c: {  	[sflag:s24] =	ssyncadd.s32 $0xFFFFFF80  }
0x3d: {  	[spmem:s2] =	stream.indirect.scatter [tilespmem:s23], [sflag:$0x7], $0x80, s25, s26, $0xb8;
	[tilespmem:$0x1C300] =	vst v63  }
0x3e: {  	_ =	swait.ge [sflag:s24], $0x4000  }
0x3f: {  	[sflag:s24] =	ssyncset.done $0x0  }
0x40: {  	s8 =	smov.u32 s10;
	[sflag:s24] =	ssyncadd.s32 $0xFFFFC000  }
0x41: {  	[tilespmem:s25], [sflag:$0x7] =	stream.linear.gather [hbm4b:s8+s3], $0x80, $0x38;
	[tilespmem:$0x1C300] =	vst v63  }
0x42: {  	_ =	swait.ge [sflag:s24], $0x80  }
0x43: {  	[sflag:s24] =	ssyncset.done $0x0  }
0x44: {  	[sflag:s24] =	ssyncadd.s32 $0xFFFFFF80  }
0x45: {  	[spmem:s2] =	stream.indirect.scatter [tilespmem:s23], [sflag:$0x7], $0x80, s25, s26, $0xb8;
	[tilespmem:$0x1C300] =	vst v63  }
0x46: {  	_ =	swait.ge [sflag:s24], $0x4000  }
0x47: {  	[sflag:s24] =	ssyncset.done $0x0  }
0x48: {  	[sflag:s24] =	ssyncadd.s32 $0xFFFFC000  }
0x49: {  	s8 =	sadd.s32 $0x0, s20;
	[bflag:$0x0] =	sbarrier.arrive $0xFFFF  }
0x4a: {  	[tilespmem:s25], [sflag:$0x3] =	stream.linear.gather [hbm4b:s8+s3], $0x80, $0x38;
	[tilespmem:$0x1C300] =	vst v63  }
0x4b: {  	s10 =	smov.u32 s15;
	s15 =	sadd.s32 $0x0, s19  }
0x4c: {  	[tilespmem:s28], [sflag:$0x4] =	stream.linear.gather [hbm4b:s15+s3], $0x80, $0x38;
	[tilespmem:$0x1C300] =	vst v63  }
0x4d: {  	s11 =	smov.u32 s16;
	s16 =	sadd.s32 $0x0, s22  }
0x4e: {  	[tilespmem:s29], [sflag:$0x5] =	stream.linear.gather [hbm4b:s16+s3], $0x80, $0x38;
	[tilespmem:$0x1C300] =	vst v63  }
0x4f: {  	s12 =	smov.u32 s18;
	s18 =	sadd.s32 $0x0, s21  }
0x50: {  	[tilespmem:s30], [sflag:$0x6] =	stream.linear.gather [hbm4b:s18+s3], $0x80, $0x38;
	[tilespmem:$0x1C300] =	vst v63  }
0x51: {  	_ =	swait.ge [sflag:s31], $0x80  }
0x52: {  	[sflag:s31] =	ssyncset.done $0x0  }
0x53: {  	[sflag:s31] =	ssyncadd.s32 $0xFFFFFF80  }
0x54: {  	[tilespmem:s23], [sflag:$0x1] =	stream.indirect.gather [hbm4b:s4+s26], $0x80, s25, s26, $0xb8;
	[tilespmem:$0x1C300] =	vst v63  }
0x55: {  	_ =	swait.ge [sflag:s0], $0x80  }
0x56: {  	[sflag:s0] =	ssyncset.done $0x0  }
0x57: {  	[sflag:s0] =	ssyncadd.s32 $0xFFFFFF80  }
0x58: {  	[tilespmem:s1], [sflag:$0x2] =	stream.indirect.gather [hbm4b:s4+s26], $0x80, s29, s26, $0xb8;
	[tilespmem:$0x1C300] =	vst v63  }
0x59: {  	_ =	swait.ge [sflag:s5], $0x80  }
0x5a: {  	[sflag:s5] =	ssyncset.done $0x0  }
0x5b: {  	[sflag:s5] =	ssyncadd.s32 $0xFFFFFF80  }
0x5c: {  	_ =	swait.ge [sflag:s6], $0x4000  }
0x5d: {  	[sflag:s6] =	ssyncset.done $0x0  }
0x5e: {  	[sflag:s6] =	ssyncadd.s32 $0xFFFFC000  }
0x5f: {  	[spmem:s2] =	stream.indirect.scatter.add.f32 [tilespmem:s23], [sflag:$0x7], $0x80, s28, s26, $0xb8;
	[tilespmem:$0x1C300] =	vst v63  }
0x60: {  	_ =	swait.ge [sflag:s24], $0x4000  }
0x61: {  	[sflag:s24] =	ssyncset.done $0x0  }
0x62: {  	[sflag:s24] =	ssyncadd.s32 $0xFFFFC000  }
0x63: {  	_ =	swait.ge [sflag:s7], $0x80  }
0x64: {  	[sflag:s7] =	ssyncset.done $0x0  }
0x65: {  	[sflag:s7] =	ssyncadd.s32 $0xFFFFFF80  }
0x66: {  	_ =	swait.ge [sflag:s9], $0x4000  }
0x67: {  	[sflag:s9] =	ssyncset.done $0x0  }
0x68: {  	[sflag:s9] =	ssyncadd.s32 $0xFFFFC000  }
0x69: {  	[spmem:s2] =	stream.indirect.scatter.add.f32 [tilespmem:s1], [sflag:$0x7], $0x80, s30, s26, $0xb8;
	[tilespmem:$0x1C300] =	vst v63  }
0x6a: {  	s13 =	smov.u32 s14;
	_ =	swait.ge [sflag:s24], $0x4000  }
0x6b: {  	s14 =	simm.s32 $0x40;
	s18 =	simm.s32 $0x20;
	[sflag:s24] =	ssyncset.done $0x0  }
.LBB2_2:
0x6c: {  	s16 =	sadd.s32 s18, s20  }
0x6d: {  	[sflag:s24] =	ssyncadd.s32 $0xFFFFC000;
	s8 =	smov.u32 s14;
	s15 =	sadd.s32 $0x20, s14  }
0x6e: {  	[tilespmem:s25], [sflag:$0x3] =	stream.linear.gather [hbm4b:s16+s3], $0x80, $0x38;
	[tilespmem:$0x1C300] =	vst v63  }
0x6f: {  	p0 =	sne.s32 s14, $0x9A0;
	s14 =	sadd.s32 s18, s19  }
0x70: {  	[tilespmem:s28], [sflag:$0x4] =	stream.linear.gather [hbm4b:s14+s3], $0x80, $0x38;
	[tilespmem:$0x1C300] =	vst v63  }
0x71: {  	s14 =	sadd.s32 s18, s22  }
0x72: {  	[tilespmem:s29], [sflag:$0x5] =	stream.linear.gather [hbm4b:s14+s3], $0x80, $0x38;
	[tilespmem:$0x1C300] =	vst v63  }
0x73: {  	s14 =	sadd.s32 s18, s21;
	s18 =	smov.u32 s8  }
0x74: {  	[tilespmem:s30], [sflag:$0x6] =	stream.linear.gather [hbm4b:s14+s3], $0x80, $0x38;
	[tilespmem:$0x1C300] =	vst v63  }
0x75: {  	_ =	swait.ge [sflag:s31], $0x80  }
0x76: {  	[sflag:s31] =	ssyncset.done $0x0  }
0x77: {  	[sflag:s31] =	ssyncadd.s32 $0xFFFFFF80  }
0x78: {  	[tilespmem:s23], [sflag:$0x1] =	stream.indirect.gather [hbm4b:s4+s26], $0x80, s25, s26, $0xb8;
	[tilespmem:$0x1C300] =	vst v63  }
0x79: {  	_ =	swait.ge [sflag:s0], $0x80  }
0x7a: {  	[sflag:s0] =	ssyncset.done $0x0  }
0x7b: {  	[sflag:s0] =	ssyncadd.s32 $0xFFFFFF80  }
0x7c: {  	[tilespmem:s1], [sflag:$0x2] =	stream.indirect.gather [hbm4b:s4+s26], $0x80, s29, s26, $0xb8;
	[tilespmem:$0x1C300] =	vst v63  }
0x7d: {  	_ =	swait.ge [sflag:s5], $0x80  }
0x7e: {  	[sflag:s5] =	ssyncset.done $0x0  }
0x7f: {  	[sflag:s5] =	ssyncadd.s32 $0xFFFFFF80  }
0x80: {  	_ =	swait.ge [sflag:s6], $0x4000  }
0x81: {  	[sflag:s6] =	ssyncset.done $0x0  }
0x82: {  	[sflag:s6] =	ssyncadd.s32 $0xFFFFC000  }
0x83: {  	[spmem:s2] =	stream.indirect.scatter.add.f32 [tilespmem:s23], [sflag:$0x7], $0x80, s28, s26, $0xb8;
	[tilespmem:$0x1C300] =	vst v63  }
0x84: {  	_ =	swait.ge [sflag:s24], $0x4000  }
0x85: {  	[sflag:s24] =	ssyncset.done $0x0  }
0x86: {  	[sflag:s24] =	ssyncadd.s32 $0xFFFFC000  }
0x87: {  	_ =	swait.ge [sflag:s7], $0x80  }
0x88: {  	[sflag:s7] =	ssyncset.done $0x0  }
0x89: {  	[sflag:s7] =	ssyncadd.s32 $0xFFFFFF80  }
0x8a: {  	_ =	swait.ge [sflag:s9], $0x4000  }
.Ltmp0:
0x8b: {  	[sflag:s9] =	ssyncset.done $0x0;
	(pc) =	sbr.rel @p0 .LBB2_2-.Ltmp0, $4  }
0x8c: {  	[sflag:s9] =	ssyncadd.s32 $0xFFFFC000  }
0x8d: {  	[spmem:s2] =	stream.indirect.scatter.add.f32 [tilespmem:s1], [sflag:$0x7], $0x80, s30, s26, $0xb8;
	[tilespmem:$0x1C300] =	vst v63  }
0x8e: {  	_ =	swait.ge [sflag:s24], $0x4000  }
0x8f: {  	s14 =	smov.u32 s15;
	[sflag:s24] =	ssyncset.done $0x0  }
0x90: {  	s8 =	sadd.s32 s18, s20;
	[sflag:s24] =	ssyncadd.s32 $0xFFFFC000  }
0x91: {  	[tilespmem:s25], [sflag:$0x3] =	stream.linear.gather [hbm4b:s8+s3], $0x80, $0x38;
	[tilespmem:$0x1C300] =	vst v63  }
0x92: {  	s15 =	sadd.s32 s18, s19  }
0x93: {  	[tilespmem:s28], [sflag:$0x4] =	stream.linear.gather [hbm4b:s15+s3], $0x80, $0x38;
	[tilespmem:$0x1C300] =	vst v63  }
0x94: {  	s16 =	sadd.s32 s18, s22  }
0x95: {  	[tilespmem:s29], [sflag:$0x5] =	stream.linear.gather [hbm4b:s16+s3], $0x80, $0x38;
	[tilespmem:$0x1C300] =	vst v63  }
0x96: {  	s14 =	sadd.s32 s18, s21  }
0x97: {  	[tilespmem:s30], [sflag:$0x6] =	stream.linear.gather [hbm4b:s14+s3], $0x80, $0x38;
	[tilespmem:$0x1C300] =	vst v63  }
0x98: {  	_ =	swait.ge [sflag:s31], $0x80  }
0x99: {  	[sflag:s31] =	ssyncset.done $0x0  }
0x9a: {  	[sflag:s31] =	ssyncadd.s32 $0xFFFFFF80  }
0x9b: {  	[tilespmem:s23], [sflag:$0x1] =	stream.indirect.gather [hbm4b:s4+s26], $0x80, s25, s26, $0xb8;
	[tilespmem:$0x1C300] =	vst v63  }
0x9c: {  	_ =	swait.ge [sflag:s0], $0x80  }
0x9d: {  	[sflag:s0] =	ssyncset.done $0x0  }
0x9e: {  	[sflag:s0] =	ssyncadd.s32 $0xFFFFFF80  }
0x9f: {  	[tilespmem:s1], [sflag:$0x2] =	stream.indirect.gather [hbm4b:s4+s26], $0x80, s29, s26, $0xb8;
	[tilespmem:$0x1C300] =	vst v63  }
0xa0: {  	_ =	swait.ge [sflag:s5], $0x80  }
0xa1: {  	[sflag:s5] =	ssyncset.done $0x0  }
0xa2: {  	[sflag:s5] =	ssyncadd.s32 $0xFFFFFF80  }
0xa3: {  	_ =	swait.ge [sflag:s6], $0x4000  }
0xa4: {  	[sflag:s6] =	ssyncset.done $0x0  }
0xa5: {  	[sflag:s6] =	ssyncadd.s32 $0xFFFFC000  }
0xa6: {  	[spmem:s2] =	stream.indirect.scatter.add.f32 [tilespmem:s23], [sflag:$0x7], $0x80, s28, s26, $0xb8;
	[tilespmem:$0x1C300] =	vst v63  }
0xa7: {  	_ =	swait.ge [sflag:s24], $0x4000  }
0xa8: {  	[sflag:s24] =	ssyncset.done $0x0  }
0xa9: {  	[sflag:s24] =	ssyncadd.s32 $0xFFFFC000  }
0xaa: {  	_ =	swait.ge [sflag:s7], $0x80  }
0xab: {  	[sflag:s7] =	ssyncset.done $0x0  }
0xac: {  	[sflag:s7] =	ssyncadd.s32 $0xFFFFFF80  }
0xad: {  	_ =	swait.ge [sflag:s9], $0x4000  }
0xae: {  	[sflag:s9] =	ssyncset.done $0x0  }
0xaf: {  	[sflag:s9] =	ssyncadd.s32 $0xFFFFC000  }
0xb0: {  	[spmem:s2] =	stream.indirect.scatter.add.f32 [tilespmem:s1], [sflag:$0x7], $0x80, s30, s26, $0xb8;
	[tilespmem:$0x1C300] =	vst v63  }
0xb1: {  	_ =	swait.ge [sflag:s24], $0x4000  }
0xb2: {  	[sflag:s24] =	ssyncset.done $0x0  }
0xb3: {  	s14 =	simm.s32 $0x14100;
	s15 =	rddreg [dreg:$0x6];
	[sflag:s24] =	ssyncadd.s32 $0xFFFFC000  }
0xb4: {  	[tilespmem:s14], [sflag:$0x7] =	stream.linear.gather [hbm4b:s15+s3], $0x20, $0x38;
	[tilespmem:$0x1C300] =	vst v63  }
0xb5: {  	_ =	swait.ge [sflag:s24], $0x20  }
0xb6: {  	[sflag:s24] =	ssyncset.done $0x0  }
0xb7: {  	s15 =	simm.s32 $0x14180;
	s16 =	rddreg [dreg:$0x7];
	[sflag:s24] =	ssyncadd.s32 $0xFFFFFFE0  }
0xb8: {  	[tilespmem:s15], [sflag:$0x7] =	stream.linear.gather [hbm4b:s16+s3], $0x20, $0x38;
	[tilespmem:$0x1C300] =	vst v63  }
0xb9: {  	_ =	swait.ge [sflag:s24], $0x20  }
0xba: {  	[sflag:s24] =	ssyncset.done $0x0  }
0xbb: {  	s18 =	simm.s32 $0x20;
	[sflag:s24] =	ssyncadd.s32 $0xFFFFFFE0  }
0xbc: {  	[tilespmem:s23], [sflag:$0x1] =	stream.indirect.gather [hbm4b:s4+s18], $0x80, s14, s18, $0xb8;
	[tilespmem:$0x1C300] =	vst v63  }
0xbd: {  	_ =	swait.ge [sflag:s6], $0x1000  }
0xbe: {  	[sflag:s6] =	ssyncset.done $0x0  }
0xbf: {  	[sflag:s6] =	ssyncadd.s32 $0xFFFFF000  }
0xc0: {  	[spmem:s2] =	stream.indirect.scatter.add.f32 [tilespmem:s23], [sflag:$0x7], $0x80, s15, s18, $0xb8;
	[tilespmem:$0x1C300] =	vst v63  }
0xc1: {  	_ =	swait.ge [sflag:s24], $0x1000  }
0xc2: {  	[sflag:s24] =	ssyncset.done $0x0  }
0xc3: {  	[sflag:s24] =	ssyncadd.s32 $0xFFFFF000  }
0xc4: {  	[bflag:$0x0] =	sbarrier.arrive $0xFFFF  }
0xc5: {  	[tilespmem:s25], [sflag:$0x7] =	stream.linear.gather [hbm4b:s10+s3], $0x80, $0x38;
	[tilespmem:$0x1C300] =	vst v63  }
0xc6: {  	_ =	swait.ge [sflag:s24], $0x80  }
0xc7: {  	[sflag:s24] =	ssyncset.done $0x0  }
0xc8: {  	[sflag:s24] =	ssyncadd.s32 $0xFFFFFF80  }
0xc9: {  	[tilespmem:s23], [sflag:$0x1] =	stream.indirect.gather [spmem:s2], $0x80, s25, s26, $0xb8;
	[tilespmem:$0x1C300] =	vst v63  }
0xca: {  	_ =	swait.ge [sflag:s6], $0x4000  }
0xcb: {  	[sflag:s6] =	ssyncset.done $0x0  }
0xcc: {  	s16 =	rddreg [dreg:$0xa];
	[sflag:s6] =	ssyncadd.s32 $0xFFFFC000  }
0xcd: {  	[hbm4b:s16+s3] =	stream.linear.scatter [tilespmem:s23], [sflag:$0x7], $0x4000, $0x38;
	[tilespmem:$0x1C300] =	vst v63  }
0xce: {  	_ =	swait.ge [sflag:s24], $0x4000  }
0xcf: {  	[sflag:s24] =	ssyncset.done $0x0  }
0xd0: {  	[sflag:s24] =	ssyncadd.s32 $0xFFFFC000  }
0xd1: {  	[tilespmem:s25], [sflag:$0x7] =	stream.linear.gather [hbm4b:s11+s3], $0x80, $0x38;
	[tilespmem:$0x1C300] =	vst v63  }
0xd2: {  	_ =	swait.ge [sflag:s24], $0x80  }
0xd3: {  	[sflag:s24] =	ssyncset.done $0x0  }
0xd4: {  	[sflag:s24] =	ssyncadd.s32 $0xFFFFFF80  }
0xd5: {  	[tilespmem:s23], [sflag:$0x1] =	stream.indirect.gather [spmem:s2], $0x80, s25, s26, $0xb8;
	[tilespmem:$0x1C300] =	vst v63  }
0xd6: {  	_ =	swait.ge [sflag:s6], $0x4000  }
0xd7: {  	[sflag:s6] =	ssyncset.done $0x0  }
0xd8: {  	s18 =	rddreg [dreg:$0xb];
	[sflag:s6] =	ssyncadd.s32 $0xFFFFC000  }
0xd9: {  	[hbm4b:s18+s3] =	stream.linear.scatter [tilespmem:s23], [sflag:$0x7], $0x4000, $0x38;
	[tilespmem:$0x1C300] =	vst v63  }
0xda: {  	_ =	swait.ge [sflag:s24], $0x4000  }
0xdb: {  	[sflag:s24] =	ssyncset.done $0x0  }
0xdc: {  	[sflag:s24] =	ssyncadd.s32 $0xFFFFC000  }
0xdd: {  	[tilespmem:s25], [sflag:$0x7] =	stream.linear.gather [hbm4b:s12+s3], $0x80, $0x38;
	[tilespmem:$0x1C300] =	vst v63  }
0xde: {  	_ =	swait.ge [sflag:s24], $0x80  }
0xdf: {  	[sflag:s24] =	ssyncset.done $0x0  }
0xe0: {  	[sflag:s24] =	ssyncadd.s32 $0xFFFFFF80  }
0xe1: {  	[tilespmem:s23], [sflag:$0x1] =	stream.indirect.gather [spmem:s2], $0x80, s25, s26, $0xb8;
	[tilespmem:$0x1C300] =	vst v63  }
0xe2: {  	_ =	swait.ge [sflag:s6], $0x4000  }
0xe3: {  	[sflag:s6] =	ssyncset.done $0x0  }
0xe4: {  	s15 =	smov.u32 s10;
	s10 =	rddreg [dreg:$0xc];
	[sflag:s6] =	ssyncadd.s32 $0xFFFFC000  }
0xe5: {  	[hbm4b:s10+s3] =	stream.linear.scatter [tilespmem:s23], [sflag:$0x7], $0x4000, $0x38;
	[tilespmem:$0x1C300] =	vst v63  }
0xe6: {  	_ =	swait.ge [sflag:s24], $0x4000  }
0xe7: {  	[sflag:s24] =	ssyncset.done $0x0  }
0xe8: {  	[sflag:s24] =	ssyncadd.s32 $0xFFFFC000  }
0xe9: {  	[tilespmem:s25], [sflag:$0x7] =	stream.linear.gather [hbm4b:s13+s3], $0x80, $0x38;
	[tilespmem:$0x1C300] =	vst v63  }
0xea: {  	_ =	swait.ge [sflag:s24], $0x80  }
0xeb: {  	[sflag:s24] =	ssyncset.done $0x0  }
0xec: {  	[sflag:s24] =	ssyncadd.s32 $0xFFFFFF80  }
0xed: {  	[tilespmem:s23], [sflag:$0x1] =	stream.indirect.gather [spmem:s2], $0x80, s25, s26, $0xb8;
	[tilespmem:$0x1C300] =	vst v63  }
0xee: {  	_ =	swait.ge [sflag:s6], $0x4000  }
0xef: {  	[sflag:s6] =	ssyncset.done $0x0  }
0xf0: {  	s16 =	smov.u32 s11;
	s11 =	rddreg [dreg:$0xd];
	[sflag:s6] =	ssyncadd.s32 $0xFFFFC000  }
0xf1: {  	[hbm4b:s11+s3] =	stream.linear.scatter [tilespmem:s23], [sflag:$0x7], $0x4000, $0x38;
	[tilespmem:$0x1C300] =	vst v63  }
0xf2: {  	_ =	swait.ge [sflag:s24], $0x4000  }
0xf3: {  	[sflag:s24] =	ssyncset.done $0x0  }
0xf4: {  	s10 =	rddreg [dreg:$0x9];
	[sflag:s24] =	ssyncadd.s32 $0xFFFFC000  }
0xf5: {  	[tilespmem:s25], [sflag:$0x7] =	stream.linear.gather [hbm4b:s10+s3], $0x80, $0x38;
	[tilespmem:$0x1C300] =	vst v63  }
0xf6: {  	_ =	swait.ge [sflag:s24], $0x80  }
0xf7: {  	[sflag:s24] =	ssyncset.done $0x0  }
0xf8: {  	[sflag:s24] =	ssyncadd.s32 $0xFFFFFF80  }
0xf9: {  	[tilespmem:s23], [sflag:$0x1] =	stream.indirect.gather [spmem:s2], $0x80, s25, s26, $0xb8;
	[tilespmem:$0x1C300] =	vst v63  }
0xfa: {  	_ =	swait.ge [sflag:s6], $0x4000  }
0xfb: {  	[sflag:s6] =	ssyncset.done $0x0  }
0xfc: {  	s18 =	smov.u32 s12;
	s12 =	rddreg [dreg:$0xe];
	[sflag:s6] =	ssyncadd.s32 $0xFFFFC000  }
0xfd: {  	[hbm4b:s12+s3] =	stream.linear.scatter [tilespmem:s23], [sflag:$0x7], $0x4000, $0x38;
	[tilespmem:$0x1C300] =	vst v63  }
0xfe: {  	_ =	swait.ge [sflag:s24], $0x4000  }
0xff: {  	s17 =	sadd.s32 $0x1, s17;
	s14 =	smov.u32 s13;
	s13 =	rddreg [dreg:$0x8]  }
0x100: {  	p0 =	sne.s32 s17, s13  }
.Ltmp1:
0x101: {  	_ = 	snop;
	(pc) =	sbr.rel @p0 .LBB2_1-.Ltmp1, $3  }
0x102: {  	_ =	sdelay $0x1  }
0x103: {  	[sflag:s24] =	ssyncset.done $0x0  }
0x104: {  	[sflag:s24] =	ssyncadd.s32 $0xFFFFC000  }
0x105: {  	_ =	sfence.sel $0x180000  }
0x106: {  	[bflag:$0x0] =	sbarrier.arrive $0xFFFF  }
0x107: {  	_ =	strace $0x9000004D  }
0x108: {  	s0 =	stileid.u32;
	[bflag:$0x2] =	sbarrier.arrive $0xFFFF  }
0x109: {  	p0 =	sne.s32 s0, $0x0;
	s0 =	rddreg [dreg:$0x4]  }
0x10a: {  	s0 =	sadd.s32 @!p0 $0x100000, s0  }
0x10b: {  	[sflag:s0] =	ssyncadd.tile.s32 @!p0 $0x1;
	_ =	shalt  }
.Lfunc_end2:
_tile_overlayer_lowered:
.L_overlay_start_2:
0x10c: {  	(tag) =	ssettag $0x2  }
0x10d: {  	s0 =	rddreg [dreg:$0x0];
	s2 =	stileid.u32  }
0x10e: {  	s1 =	rddreg [dreg:$0x1];
	p0 =	sne.s32 s2, $0x0  }
0x10f: {  	s3 =	rddreg [dreg:$0x2];
	[bflag:$0x3] =	sbarrier.arrive $0xFFFF;
	s2 =	simm.s32 @!p0 $0x1C07  }
0x110: {  	[timem:s3], [sflag:s2] =	dma.local @!p0 [hbm:s0], s1  }
0x111: {  	s0 =	simm.s32 @!p0 $0x7  }
0x112: {  	_ =	swait.ge @!p0 [sflag:s0], s1  }
0x113: {  	s1 =	ssub.s32 @!p0 $0x0, s1;
	[sflag:s0] =	ssyncset.done @!p0 $0x0  }
0x114: {  	[sflag:s0] =	ssyncadd.s32 @!p0 s1  }
0x115: {  	[bflag:$0x3] =	sbarrier.arrive $0xFFFF  }
0x116: {  	_ =	shalt  }

// kernel: kernel.7.cloned.1.call-start
scs
__scs_entry_jumppad:
0x0: {  	(pc) =	sbr.rel $0x88, $3  }
0x1: {  	(tag) =	ssettag $0x0;
	lr =	simm.s32 $0x1  }
0x2: {  	[smem:$0x3F89] =	sst lr;
	_ =	strace $0xD0000000  }
0x3: {  	_ = 	snop  }
0x4: {  	_ = 	snop  }
0x5: {  	_ = 	snop  }
0x6: {  	_ = 	snop  }
0x7: {  	_ = 	snop  }
__scs_overlays_trampoline_lowered:
0x8: {  	[smem:$0x3F98] =	sst s0  }
0x9: {  	[smem:$0x3F99] =	sst s1  }
0xa: {  	[smem:$0x3F9A] =	sst s2  }
0xb: {  	[smem:$0x3F9B] =	sst s3  }
0xc: {  	[smem:$0x3F9C] =	sst s4  }
0xd: {  	[smem:$0x3F9D] =	sst s5  }
0xe: {  	[smem:$0x3F9E] =	sst s6  }
0xf: {  	[smem:$0x3F9F] =	sst s7  }
0x10: {  	[smem:$0x3FA0] =	sst s8  }
0x11: {  	[smem:$0x3FA1] =	sst s9;
	s0 =	simm.s32 @!p0 $0x0  }
0x12: {  	s1 =	sld [smem:$0x3F87];
	s0 =	simm.s32 @p0 $0x1  }
0x13: {  	[smem:$0x3FA2] =	sst s0;
	s0 =	simm.s32 @!p1 $0x0  }
0x14: {  	s2 =	sld [smem:$0x3F86];
	s0 =	simm.s32 @p1 $0x1  }
0x15: {  	[smem:$0x3FA3] =	sst s0;
	s0 =	simm.s32 @!p2 $0x0  }
0x16: {  	s3 =	sld [smem:$0x3FDB];
	s0 =	simm.s32 @p2 $0x1  }
0x17: {  	s4 =	simm.s32 $0x1BF5;
	[smem:$0x3FA5] =	sst s0  }
0x18: {  	s0 =	sld [smem:$0x3F88];
	_ =	swait.ge [sflag:s4], $0x0  }
0x19: {  	s7 =	sld [smem:$0x3F89]  }
0x1a: {  	s8 =	sadd.s32 $0xFFFFE003, lr  }
0x1b: {  	s9 =	sadd.s32 $0xFFFFFEF7, lr;
	s5 =	simm.s32 $0xFFFFFFFF;
	p2 =	slt.u32 s8, $0xFFFFF086  }
0x1c: {  	p1 =	slt.u32 s9, $0xF7A;
	s5 =	simm.s32 @!p2 $0x0  }
0x1d: {  	s5 =	simm.s32 @p1 $0x1;
	p0 =	seq.s32 s7, s2  }
0x1e: {  	s7 =	smul.u32 @!p0 $0xF7A, s2;
	p2 =	seq.s32 @!p0 s5, $0x0  }
0x1f: {  	s9 =	smul.u32 $0xF7A, s1;
	s8 =	simm.s32 @!p0 $0x1BF5;
	p2 =	por !p2, p0  }
0x20: {  	[sflag:s8] =	ssyncset.s32 @!p0 $0xFFFFF086;
	s6 =	sadd.s32 @!p0 s3, s7;
	s7 =	simm.s32 @!p0 $0x108  }
0x21: {  	s3 =	sadd.s32 s3, s9;
	s6 =	sadd.s32 @!p0 $0x88, s6;
	s7 =	simm.s32 @p2 $0x1082  }
0x22: {  	[simem:s7], [sflag:s8] =	dma.local @!p0 [hbm:s6], $0xF7A  }
0x23: {  	s9 =	sor.u32 $0xD0000000, s2;
	s6 =	simm.s32 $0x108;
	_ =	swait.ge @!p0 [sflag:s8], $0x0  }
0x24: {  	s3 =	sadd.s32 $0x88, s3;
	s6 =	simm.s32 @!p1 $0x1082;
	[sflag:s4] =	ssyncset.s32 $0xFFFFF086  }
0x25: {  	[simem:s6], [sflag:s4] =	dma.local [hbm:s3], $0xF7A  }
0x26: {  	[smem:$0x3F89] =	sst s1;
	(tag) =	ssettag s2;
	_ =	strace s9  }
0x27: {  	s1 =	sld [smem:$0x3F99]  }
0x28: {  	s2 =	sld [smem:$0x3F9A]  }
0x29: {  	s4 =	sld [smem:$0x3F9C]  }
0x2a: {  	p0 =	seq.s32 s5, $0x0;
	s5 =	sld [smem:$0x3F9D]  }
0x2b: {  	s6 =	sld [smem:$0x3F9E]  }
0x2c: {  	s7 =	sld [smem:$0x3F9F]  }
0x2d: {  	s3 =	simm.s32 $0x108;
	s8 =	sld [smem:$0x3FA0]  }
0x2e: {  	s3 =	simm.s32 @!p0 $0x1082;
	s9 =	sld [smem:$0x3FA1]  }
0x2f: {  	lr =	sadd.s32 s0, s3;
	s0 =	sld [smem:$0x3F98]  }
0x30: {  	s3 =	sld [smem:$0x3F9B]  }
0x31: {  	[smem:$0x3FA4] =	sst s10  }
0x32: {  	s10 =	sld [smem:$0x3FA2];
	_ =	sdelay $0x3  }
0x33: {  	p0 =	seq.s32 s10, $0x1;
	s10 =	sld [smem:$0x3FA4];
	_ =	sdelay $0x3  }
0x34: {  	[smem:$0x3FA4] =	sst s10  }
0x35: {  	s10 =	sld [smem:$0x3FA3];
	_ =	sdelay $0x3  }
0x36: {  	p1 =	seq.s32 s10, $0x1;
	s10 =	sld [smem:$0x3FA4];
	_ =	sdelay $0x3  }
0x37: {  	[smem:$0x3FA4] =	sst s10  }
0x38: {  	s10 =	sld [smem:$0x3FA5]  }
0x39: {  	_ = 	snop;
	(pc) =	sbr.ind lr, $3  }
0x3a: {  	_ = 	snop  }
0x3b: {  	_ = 	snop  }
0x3c: {  	p2 =	seq.s32 s10, $0x1;
	s10 =	sld [smem:$0x3FA4]  }
0x3d: {  	_ =	shalt  }
0x3e: {  	_ =	shalt  }
0x3f: {  	_ =	shalt  }
0x40: {  	_ =	shalt  }
0x41: {  	_ =	shalt  }
0x42: {  	_ =	shalt  }
0x43: {  	_ =	shalt  }
0x44: {  	_ =	shalt  }
0x45: {  	_ =	shalt  }
0x46: {  	_ =	shalt  }
0x47: {  	_ =	shalt  }
0x48: {  	_ =	shalt  }
0x49: {  	_ =	shalt  }
0x4a: {  	_ =	shalt  }
0x4b: {  	_ =	shalt  }
0x4c: {  	_ =	shalt  }
0x4d: {  	_ =	shalt  }
0x4e: {  	_ =	shalt  }
0x4f: {  	_ =	shalt  }
0x50: {  	_ =	shalt  }
0x51: {  	_ =	shalt  }
0x52: {  	_ =	shalt  }
0x53: {  	_ =	shalt  }
0x54: {  	_ =	shalt  }
0x55: {  	_ =	shalt  }
0x56: {  	_ =	shalt  }
0x57: {  	_ =	shalt  }
0x58: {  	_ =	shalt  }
0x59: {  	_ =	shalt  }
0x5a: {  	_ =	shalt  }
0x5b: {  	_ =	shalt  }
0x5c: {  	_ =	shalt  }
0x5d: {  	_ =	shalt  }
0x5e: {  	_ =	shalt  }
0x5f: {  	_ =	shalt  }
0x60: {  	_ =	shalt  }
0x61: {  	_ =	shalt  }
0x62: {  	_ =	shalt  }
0x63: {  	_ =	shalt  }
0x64: {  	_ =	shalt  }
0x65: {  	_ =	shalt  }
0x66: {  	_ =	shalt  }
0x67: {  	_ =	shalt  }
0x68: {  	_ =	shalt  }
0x69: {  	_ =	shalt  }
0x6a: {  	_ =	shalt  }
0x6b: {  	_ =	shalt  }
0x6c: {  	_ =	shalt  }
0x6d: {  	_ =	shalt  }
0x6e: {  	_ =	shalt  }
0x6f: {  	_ =	shalt  }
0x70: {  	_ =	shalt  }
0x71: {  	_ =	shalt  }
0x72: {  	_ =	shalt  }
0x73: {  	_ =	shalt  }
0x74: {  	_ =	shalt  }
0x75: {  	_ =	shalt  }
0x76: {  	_ =	shalt  }
0x77: {  	_ =	shalt  }
0x78: {  	_ =	shalt  }
0x79: {  	_ =	shalt  }
0x7a: {  	_ =	shalt  }
0x7b: {  	_ =	shalt  }
0x7c: {  	_ =	shalt  }
0x7d: {  	_ =	shalt  }
0x7e: {  	_ =	shalt  }
0x7f: {  	_ =	shalt  }
0x80: {  	_ =	shalt  }
0x81: {  	_ =	shalt  }
0x82: {  	_ =	shalt  }
0x83: {  	_ =	shalt  }
0x84: {  	_ =	shalt  }
0x85: {  	_ =	shalt  }
0x86: {  	_ =	shalt  }
0x87: {  	_ =	shalt  }
.Lfunc_end0:
.L_simem_size_0:
called_computation_lowered:
.L_overlay_start_0:
0x88: {  	s2 =	sld [smem:$0x3FD9]  }
0x89: {  	s3 =	sld [smem:$0x3FFE];
	_ =	sdelay $0x1  }
0x8a: {  	s1 =	srdreg.scid  }
0x8b: {  	s0 =	sand.u32 $0x1, s1  }
0x8c: {  	s15 =	sshll.u32 s0, $0xA;
	s2 =	sadd.s32 s3, s2  }
0x8d: {  	s2 =	sadd.s32 s2, s15  }
0x8e: {  	[smem:$0x3FB0] =	sst s2  }
0x8f: {  	_ = 	snop  }
0x90: {  	s2 =	sld [smem:$0x3FD0];
	_ =	sdelay $0x2  }
0x91: {  	s16 =	simm.s32 $0xB;
	s4 =	simm.s32 $0x10  }
0x92: {  	[smem:s4], [sflag:s16] =	dma.local [hbm:s2], $0x1  }
0x93: {  	_ =	swait.eq [sflag:s16], $0x1  }
0x94: {  	[sflag:s16] =	ssyncset.done $0x0  }
0x95: {  	[sflag:s16] =	ssyncadd.s32 $0xFFFFFFFF  }
0x96: {  	s17 =	sld [smem:$0x10];
	(tm) =	ssettm $0x1  }
0x97: {  	s18 =	sld [smem:$0x3FFB];
	_ =	sdelay $0x3  }
0x98: {  	_ =	strace s18  }
0x99: {  	s2 =	sld [smem:$0x3FFC];
	_ =	sdelay $0x3  }
0x9a: {  	_ =	strace s2  }
0x9b: {  	s2 =	sld [smem:$0x3FFD];
	_ =	sdelay $0x3  }
0x9c: {  	_ =	strace s2  }
0x9d: {  	_ =	strace $0x8FFFFFFF  }
0x9e: {  	s19 =	sld [smem:$0x3FDB];
	_ =	sdelay $0x1  }
0x9f: {  	s20 =	simm.s32 $_scs_section_size  }
0xa0: {  	s5 =	simm.s32 $_size__tile_overlayer_lowered;
	s6 =	simm.s32 $_tile_overlayer_lowered  }
0xa1: {  	s7 =	simm.s32 $0x1BFF;
	s21 =	sshll.u32 s6, $0x1;
	s4 =	sadd.s32 s20, s19  }
0xa2: {  	s22 =	simm.s32 $0x0;
	s5 =	sshll.u32 s5, $0x1;
	s6 =	sadd.s32 s21, s4  }
0xa3: {  	[timem:s22], [sflag:s7] =	dma.local [hbm:s6], s5  }
0xa4: {  	_ =	swait.ge [sflag:s7], s5  }
0xa5: {  	s5 =	ssub.s32 $0x0, s5;
	[sflag:s7] =	ssyncset.done $0x0  }
0xa6: {  	[sflag:s7] =	ssyncadd.s32 s5;
	_ =	sdelay $0x1  }
0xa7: {  	s23 =	simm.s32 $0x1B8B  }
0xa8: {  	_ =	swait.ge [sflag:s23], $0x1  }
0xa9: {  	[sflag:s23] =	ssyncset.done $0x0  }
0xaa: {  	[sflag:s23] =	ssyncadd.s32 $0xFFFFFFFF  }
0xab: {  	s5 =	sld [smem:$0x0]  }
0xac: {  	s6 =	sand.u32 $0xFFFFFFFE, s1  }
0xad: {  	p0 =	sne.s32 s1, s6  }
0xae: {  	s6 =	sshll.u32 @p0 s6, $0xE  }
0xaf: {  	s6 =	sadd.s32 @p0 $0x11B8D, s6;
	s7 =	sshll.u32 @p0 s5, $0x11  }
0xb0: {  	s6 =	sor.u32 @p0 s7, s6  }
0xb1: {  	[sflag:s6] =	ssyncadd.remote.s32 @p0 $0x1;
	_ =	sdelay $0x1  }
0xb2: {  	s6 =	simm.s32 @p0 $0x1B8D  }
0xb3: {  	_ =	swait.eq @p0 [sflag:s6], $0x1  }
0xb4: {  	[sflag:s6] =	ssyncadd.s32 @p0 $0xFFFFFFFF  }
0xb5: {  	s7 =	sshll.u32 @!p0 s1, $0xE  }
0xb6: {  	s7 =	sor.u32 @!p0 $0x4000, s7;
	s6 =	simm.s32 @!p0 $0x1B8D  }
0xb7: {  	s5 =	sshll.u32 @!p0 s5, $0x11;
	s7 =	sadd.s32 @!p0 $0x11B8D, s7;
	_ =	swait.eq @!p0 [sflag:s6], $0x1  }
0xb8: {  	s5 =	sor.u32 @!p0 s5, s7;
	[sflag:s6] =	ssyncadd.s32 @!p0 $0xFFFFFFFF  }
0xb9: {  	s25 =	simm.s32 $0x1B8E;
	s24 =	sld [smem:$0x3FFE];
	[sflag:s5] =	ssyncadd.remote.s32 @!p0 $0x1  }
0xba: {  	s26 =	simm.s32 $execute0_lowered;
	[smem:$0x3FD2] =	sst s25  }
0xbb: {  	s6 =	sshll.u32 s26, $0x1;
	_ =	strace $0x80000049;
	[dreg:$0x1] =	wrdreg $0xFFFFFFFF  }
0xbc: {  	s28 =	simm.s32 $_size_execute0_lowered;
	s4 =	sadd.s32 s4, s6;
	[dreg:$0x0] =	wrdreg $0x0  }
0xbd: {  	s6 =	sshll.u32 s28, $0x1;
	[dreg:$0x2] =	wrdreg s4  }
0xbe: {  	[dreg:$0x3] =	wrdreg s6  }
0xbf: {  	[dreg:$0x4] =	wrdreg $0xC0  }
0xc0: {  	_ =	task [dreg:s22], $0x5FFFF  }
0xc1: {  	[dreg:$0x1] =	wrdreg $0xFFFFFFFF  }
0xc2: {  	[dreg:$0x0] =	wrdreg $0x60  }
0xc3: {  	[dreg:$0x2] =	wrdreg s17  }
0xc4: {  	[dreg:$0x3] =	wrdreg s24  }
0xc5: {  	[dreg:$0x4] =	wrdreg $0x0  }
0xc6: {  	[dreg:$0x5] =	wrdreg $0x9  }
0xc7: {  	_ =	task.clear_ibuf [dreg:s22], $0x6FFFF;
	_ =	strace $0x90000049  }
0xc8: {  	s29 =	simm.s32 $0x9;
	_ =	strace $0x8000004B  }
0xc9: {  	_ =	swait.ge [sflag:s29], $0x1  }
0xca: {  	[sflag:s29] =	ssyncadd.s32 $0xFFFFFFFF  }
0xcb: {  	_ =	strace $0x9000004B  }
0xcc: {  	_ =	sfence  }
0xcd: {  	s30 =	sld [smem:$0x0];
	_ =	sdelay $0x2  }
0xce: {  	s31 =	sshll.u32 s1, $0xD;
	s1 =	sshrl.u32 s1, $0x2  }
0xcf: {  	s4 =	sand.u32 $0x4000, s31;
	s1 =	sadd.s32 s1, s30  }
0xd0: {  	s0 =	sor.u32 s4, s0;
	s1 =	sshll.u32 s1, $0x11  }
0xd1: {  	s0 =	sor.u32 s1, s0  }
0xd2: {  	s0 =	sadd.s32 $0x8F2B, s0  }
0xd3: {  	[sflag:s0] =	ssyncadd.remote.s32 $0x1  }
0xd4: {  	_ =	sfence.sel $0xFFFF  }
0xd5: {  	[dreg:$0x0] =	wrdreg $0xFFFFFFFF;
	(pc) =	sbr.abs _section_cstart, $3  }
0xd6: {  	[dreg:$0x1] =	wrdreg $0xFFFFFFFF  }
0xd7: {  	_ =	task.clear_ibuf [dreg:s22], $0x2FFFF;
	_ =	strace $0x9FFFFFFF  }
0xd8: {  	(tm) =	ssettm $0x7FFFFFFF  }
0xd9: {  	_ =	shalt  }
tec
execute0_lowered:
.L_overlay_start_1:
0x0: {  	(tag) =	ssettag $0x1  }
0x1: {  	s1 =	rddreg [dreg:$0x0]  }
0x2: {  	s7 =	rddreg [dreg:$0x1];
	s0 =	stileid.u32  }
0x3: {  	s3 =	srdreg.scid;
	s2 =	rddreg [dreg:$0x2];
	s20 =	simm.s32 $0x14180  }
0x4: {  	s21 =	simm.s32 $0x2;
	s22 =	simm.s32 $0x14000;
	s23 =	simm.s32 $0x80  }
0x5: {  	s24 =	simm.s32 $0x14080;
	s29 =	simm.s32 $0x1;
	s6 =	smul.u32 $0x280, s0  }
0x6: {  	s30 =	simm.s32 $0x0;
	s8 =	sand.u32 $0x1, s3;
	s10 =	smul.u32 $0x4E20, s0  }
0x7: {  	s3 =	simm.s32 $0x0;
	s25 =	sadd.s32 $0x54C00, s7;
	s9 =	smul.u32 $0x4E200, s8  }
0x8: {  	s5 =	sadd.s32 $0xA5400, s7;
	[smem:$0x7FF] =	sst s3;
	s11 =	smul.u32 $0x2800, s8  }
0x9: {  	s8 =	ssub.s32 $0x2, s8;
	s4 =	sshrl.u32 s6, $0x3;
	_ =	strace $0x8000004A  }
0xa: {  	[dreg:$0x4] =	wrdreg s25;
	s28 =	sshrl.u32 s8, $0x1;
	s25 =	simm.s32 $0x18180  }
0xb: {  	s13 =	sadd.s32 s4, s7;
	s16 =	sadd.s32 s10, s9;
	s6 =	sadd.s32 s6, s11  }
0xc: {  	s31 =	ssub.s32 s8, s28;
	s9 =	sshrl.u32 s16, $0x3;
	s26 =	sshll.u32 s6, $0x4  }
0xd: {  	s8 =	sadd.s32 $0x54600, s13;
	s10 =	sadd.s32 $0x54610, s13;
	s11 =	sadd.s32 $0x54620, s13  }
0xe: {  	s12 =	sadd.s32 $0x54630, s13;
	s13 =	sadd.s32 $0x54640, s13;
	s19 =	sadd.s32 $0x80, s16  }
0xf: {  	s6 =	sadd.s32 s9, s1;
	s18 =	sadd.s32 s26, s7;
	s9 =	smax.u32 s31, $0x1  }
0x10: {  	s19 =	sshrl.u32 s19, $0x3;
	s26 =	simm.s32 $0x14100;
	s7 =	sadd.s32 $0x9C0, s6  }
0x11: {  	s14 =	sadd.s32 $0xA5C00, s18;
	s15 =	sadd.s32 $0xA6400, s18;
	s16 =	sadd.s32 $0xA6C00, s18  }
0x12: {  	s17 =	sadd.s32 $0xA7400, s18;
	s18 =	sadd.s32 $0xA7C00, s18;
	s19 =	sadd.s32 s19, s1  }
.LBB2_1:
0x13: {  	s0 =	rddreg [dreg:$0x4]  }
0x14: {  	[tilespmem:s20], [sflag:$0x2] =	stream.linear.gather [hbm4b:s0+s3], $0x4000, $0x38;
	[tilespmem:$0x18200] =	vst v63  }
0x15: {  	_ =	swait.ge [sflag:s21], $0x4000  }
0x16: {  	[sflag:s21] =	ssyncset.done $0x0  }
0x17: {  	[sflag:s21] =	ssyncadd.s32 $0xFFFFC000  }
0x18: {  	[tilespmem:s22], [sflag:$0x2] =	stream.linear.gather [hbm4b:s8+s3], $0x80, $0x38;
	[tilespmem:$0x18200] =	vst v63  }
0x19: {  	_ =	swait.ge [sflag:s21], $0x80  }
0x1a: {  	[sflag:s21] =	ssyncset.done $0x0  }
0x1b: {  	[sflag:s21] =	ssyncadd.s32 $0xFFFFFF80  }
0x1c: {  	[spmem:s2] =	stream.indirect.scatter [tilespmem:s20], [sflag:$0x2], $0x80, s22, s23, $0xb8;
	[tilespmem:$0x18200] =	vst v63  }
0x1d: {  	_ =	swait.ge [sflag:s21], $0x4000  }
0x1e: {  	[sflag:s21] =	ssyncset.done $0x0  }
0x1f: {  	[sflag:s21] =	ssyncadd.s32 $0xFFFFC000  }
0x20: {  	[tilespmem:s22], [sflag:$0x2] =	stream.linear.gather [hbm4b:s10+s3], $0x80, $0x38;
	[tilespmem:$0x18200] =	vst v63  }
0x21: {  	_ =	swait.ge [sflag:s21], $0x80  }
0x22: {  	[sflag:s21] =	ssyncset.done $0x0  }
0x23: {  	[sflag:s21] =	ssyncadd.s32 $0xFFFFFF80  }
0x24: {  	[spmem:s2] =	stream.indirect.scatter [tilespmem:s20], [sflag:$0x2], $0x80, s22, s23, $0xb8;
	[tilespmem:$0x18200] =	vst v63  }
0x25: {  	_ =	swait.ge [sflag:s21], $0x4000  }
0x26: {  	[sflag:s21] =	ssyncset.done $0x0  }
0x27: {  	[sflag:s21] =	ssyncadd.s32 $0xFFFFC000  }
0x28: {  	[tilespmem:s22], [sflag:$0x2] =	stream.linear.gather [hbm4b:s11+s3], $0x80, $0x38;
	[tilespmem:$0x18200] =	vst v63  }
0x29: {  	_ =	swait.ge [sflag:s21], $0x80  }
0x2a: {  	[sflag:s21] =	ssyncset.done $0x0  }
0x2b: {  	[sflag:s21] =	ssyncadd.s32 $0xFFFFFF80  }
0x2c: {  	[spmem:s2] =	stream.indirect.scatter [tilespmem:s20], [sflag:$0x2], $0x80, s22, s23, $0xb8;
	[tilespmem:$0x18200] =	vst v63  }
0x2d: {  	_ =	swait.ge [sflag:s21], $0x4000  }
0x2e: {  	[sflag:s21] =	ssyncset.done $0x0  }
0x2f: {  	[sflag:s21] =	ssyncadd.s32 $0xFFFFC000  }
0x30: {  	[tilespmem:s22], [sflag:$0x2] =	stream.linear.gather [hbm4b:s12+s3], $0x80, $0x38;
	[tilespmem:$0x18200] =	vst v63  }
0x31: {  	_ =	swait.ge [sflag:s21], $0x80  }
0x32: {  	[sflag:s21] =	ssyncset.done $0x0  }
0x33: {  	[sflag:s21] =	ssyncadd.s32 $0xFFFFFF80  }
0x34: {  	[spmem:s2] =	stream.indirect.scatter [tilespmem:s20], [sflag:$0x2], $0x80, s22, s23, $0xb8;
	[tilespmem:$0x18200] =	vst v63  }
0x35: {  	_ =	swait.ge [sflag:s21], $0x4000  }
0x36: {  	[sflag:s21] =	ssyncset.done $0x0  }
0x37: {  	[sflag:s21] =	ssyncadd.s32 $0xFFFFC000  }
0x38: {  	[tilespmem:s22], [sflag:$0x2] =	stream.linear.gather [hbm4b:s13+s3], $0x80, $0x38;
	[tilespmem:$0x18200] =	vst v63  }
0x39: {  	_ =	swait.ge [sflag:s21], $0x80  }
0x3a: {  	[sflag:s21] =	ssyncset.done $0x0  }
0x3b: {  	[sflag:s21] =	ssyncadd.s32 $0xFFFFFF80  }
0x3c: {  	[spmem:s2] =	stream.indirect.scatter [tilespmem:s20], [sflag:$0x2], $0x80, s22, s23, $0xb8;
	[tilespmem:$0x18200] =	vst v63  }
0x3d: {  	_ =	swait.ge [sflag:s21], $0x4000  }
0x3e: {  	[sflag:s21] =	ssyncset.done $0x0  }
0x3f: {  	[sflag:s21] =	ssyncadd.s32 $0xFFFFC000  }
0x40: {  	[bflag:$0x0] =	sbarrier.arrive $0xFFFF  }
0x41: {  	[tilespmem:s20], [sflag:$0x2] =	stream.linear.gather [hbm4b:s5+s3], $0x4000, $0x38;
	[tilespmem:$0x18200] =	vst v63  }
0x42: {  	_ =	swait.ge [sflag:s21], $0x4000  }
0x43: {  	[sflag:s21] =	ssyncset.done $0x0  }
0x44: {  	s1 =	sadd.s32 $0x0, s6;
	[sflag:s21] =	ssyncadd.s32 $0xFFFFC000  }
0x45: {  	[tilespmem:s24], [sflag:$0x2] =	stream.linear.gather [hbm4b:s1+s3], $0x80, $0x38;
	[tilespmem:$0x18200] =	vst v63  }
0x46: {  	_ =	swait.ge [sflag:s21], $0x80  }
0x47: {  	[sflag:s21] =	ssyncset.done $0x0  }
0x48: {  	s28 =	sadd.s32 $0x0, s19;
	[sflag:s21] =	ssyncadd.s32 $0xFFFFFF80  }
0x49: {  	[tilespmem:s25], [sflag:$0x2] =	stream.linear.gather [hbm4b:s28+s3], $0x80, $0x38;
	[tilespmem:$0x18200] =	vst v63  }
0x4a: {  	_ =	swait.ge [sflag:s21], $0x80  }
0x4b: {  	[sflag:s21] =	ssyncset.done $0x0  }
0x4c: {  	[sflag:s21] =	ssyncadd.s32 $0xFFFFFF80  }
0x4d: {  	[spmem:s2] =	stream.indirect.scatter.add.f32 [tilespmem:s20], [sflag:$0x2], $0x80, s24, s23, $0xb8;
	[tilespmem:$0x18200] =	vst v63  }
0x4e: {  	_ =	swait.ge [sflag:s21], $0x4000  }
0x4f: {  	[sflag:s21] =	ssyncset.done $0x0  }
0x50: {  	[sflag:s21] =	ssyncadd.s32 $0xFFFFC000  }
0x51: {  	[spmem:s2] =	stream.indirect.scatter.add.f32 [tilespmem:s20], [sflag:$0x2], $0x80, s25, s23, $0xb8;
	[tilespmem:$0x18200] =	vst v63  }
0x52: {  	_ =	swait.ge [sflag:s21], $0x4000  }
0x53: {  	s31 =	simm.s32 $0x20;
	s1 =	simm.s32 $0x40;
	[sflag:s21] =	ssyncset.done $0x0  }
.LBB2_2:
0x54: {  	s0 =	sadd.s32 s31, s6  }
0x55: {  	[sflag:s21] =	ssyncadd.s32 $0xFFFFC000;
	s28 =	smov.u32 s1;
	s4 =	sadd.s32 $0x20, s1  }
0x56: {  	[tilespmem:s24], [sflag:$0x2] =	stream.linear.gather [hbm4b:s0+s3], $0x80, $0x38;
	[tilespmem:$0x18200] =	vst v63  }
0x57: {  	p0 =	sne.s32 s1, $0x9A0;
	_ =	swait.ge [sflag:s21], $0x80  }
0x58: {  	[sflag:s21] =	ssyncset.done $0x0  }
0x59: {  	s0 =	sadd.s32 s31, s19;
	s31 =	smov.u32 s28;
	[sflag:s21] =	ssyncadd.s32 $0xFFFFFF80  }
0x5a: {  	[tilespmem:s25], [sflag:$0x2] =	stream.linear.gather [hbm4b:s0+s3], $0x80, $0x38;
	[tilespmem:$0x18200] =	vst v63  }
0x5b: {  	_ =	swait.ge [sflag:s21], $0x80  }
0x5c: {  	[sflag:s21] =	ssyncset.done $0x0  }
0x5d: {  	[sflag:s21] =	ssyncadd.s32 $0xFFFFFF80  }
0x5e: {  	[spmem:s2] =	stream.indirect.scatter.add.f32 [tilespmem:s20], [sflag:$0x2], $0x80, s24, s23, $0xb8;
	[tilespmem:$0x18200] =	vst v63  }
0x5f: {  	_ =	swait.ge [sflag:s21], $0x4000  }
.Ltmp0:
0x60: {  	[sflag:s21] =	ssyncset.done $0x0;
	(pc) =	sbr.rel @p0 .LBB2_2-.Ltmp0, $4  }
0x61: {  	[sflag:s21] =	ssyncadd.s32 $0xFFFFC000  }
0x62: {  	[spmem:s2] =	stream.indirect.scatter.add.f32 [tilespmem:s20], [sflag:$0x2], $0x80, s25, s23, $0xb8;
	[tilespmem:$0x18200] =	vst v63  }
0x63: {  	_ =	swait.ge [sflag:s21], $0x4000  }
0x64: {  	s1 =	smov.u32 s4;
	[sflag:s21] =	ssyncset.done $0x0  }
0x65: {  	s0 =	sadd.s32 s31, s6;
	[sflag:s21] =	ssyncadd.s32 $0xFFFFC000  }
0x66: {  	[tilespmem:s24], [sflag:$0x2] =	stream.linear.gather [hbm4b:s0+s3], $0x80, $0x38;
	[tilespmem:$0x18200] =	vst v63  }
0x67: {  	_ =	swait.ge [sflag:s21], $0x80  }
0x68: {  	[sflag:s21] =	ssyncset.done $0x0  }
0x69: {  	s28 =	sadd.s32 s31, s19;
	[sflag:s21] =	ssyncadd.s32 $0xFFFFFF80  }
0x6a: {  	[tilespmem:s25], [sflag:$0x2] =	stream.linear.gather [hbm4b:s28+s3], $0x80, $0x38;
	[tilespmem:$0x18200] =	vst v63  }
0x6b: {  	_ =	swait.ge [sflag:s21], $0x80  }
0x6c: {  	[sflag:s21] =	ssyncset.done $0x0  }
0x6d: {  	[sflag:s21] =	ssyncadd.s32 $0xFFFFFF80  }
0x6e: {  	[spmem:s2] =	stream.indirect.scatter.add.f32 [tilespmem:s20], [sflag:$0x2], $0x80, s24, s23, $0xb8;
	[tilespmem:$0x18200] =	vst v63  }
0x6f: {  	_ =	swait.ge [sflag:s21], $0x4000  }
0x70: {  	[sflag:s21] =	ssyncset.done $0x0  }
0x71: {  	[sflag:s21] =	ssyncadd.s32 $0xFFFFC000  }
0x72: {  	[spmem:s2] =	stream.indirect.scatter.add.f32 [tilespmem:s20], [sflag:$0x2], $0x80, s25, s23, $0xb8;
	[tilespmem:$0x18200] =	vst v63  }
0x73: {  	_ =	swait.ge [sflag:s21], $0x4000  }
0x74: {  	[sflag:s21] =	ssyncset.done $0x0  }
0x75: {  	[sflag:s21] =	ssyncadd.s32 $0xFFFFC000  }
0x76: {  	[tilespmem:s26], [sflag:$0x2] =	stream.linear.gather [hbm4b:s7+s3], $0x20, $0x38;
	[tilespmem:$0x18200] =	vst v63  }
0x77: {  	_ =	swait.ge [sflag:s21], $0x20  }
0x78: {  	[sflag:s21] =	ssyncset.done $0x0  }
0x79: {  	s31 =	simm.s32 $0x20;
	[sflag:s21] =	ssyncadd.s32 $0xFFFFFFE0  }
0x7a: {  	[spmem:s2] =	stream.indirect.scatter.add.f32 [tilespmem:s20], [sflag:$0x2], $0x80, s26, s31, $0xb8;
	[tilespmem:$0x18200] =	vst v63  }
0x7b: {  	_ =	swait.ge [sflag:s21], $0x1000  }
0x7c: {  	[sflag:s21] =	ssyncset.done $0x0  }
0x7d: {  	[sflag:s21] =	ssyncadd.s32 $0xFFFFF000  }
0x7e: {  	[bflag:$0x0] =	sbarrier.arrive $0xFFFF  }
0x7f: {  	[tilespmem:s22], [sflag:$0x2] =	stream.linear.gather [hbm4b:s8+s3], $0x80, $0x38;
	[tilespmem:$0x18200] =	vst v63  }
0x80: {  	_ =	swait.ge [sflag:s21], $0x80  }
0x81: {  	[sflag:s21] =	ssyncset.done $0x0  }
0x82: {  	[sflag:s21] =	ssyncadd.s32 $0xFFFFFF80  }
0x83: {  	[tilespmem:s20], [sflag:$0x1] =	stream.indirect.gather [spmem:s2], $0x80, s22, s23, $0xb8;
	[tilespmem:$0x18200] =	vst v63  }
0x84: {  	_ =	swait.ge [sflag:s29], $0x4000  }
0x85: {  	[sflag:s29] =	ssyncset.done $0x0  }
0x86: {  	[sflag:s29] =	ssyncadd.s32 $0xFFFFC000  }
0x87: {  	[hbm4b:s14+s3] =	stream.linear.scatter [tilespmem:s20], [sflag:$0x2], $0x4000, $0x38;
	[tilespmem:$0x18200] =	vst v63  }
0x88: {  	_ =	swait.ge [sflag:s21], $0x4000  }
0x89: {  	[sflag:s21] =	ssyncset.done $0x0  }
0x8a: {  	[sflag:s21] =	ssyncadd.s32 $0xFFFFC000  }
0x8b: {  	[tilespmem:s22], [sflag:$0x2] =	stream.linear.gather [hbm4b:s10+s3], $0x80, $0x38;
	[tilespmem:$0x18200] =	vst v63  }
0x8c: {  	_ =	swait.ge [sflag:s21], $0x80  }
0x8d: {  	[sflag:s21] =	ssyncset.done $0x0  }
0x8e: {  	[sflag:s21] =	ssyncadd.s32 $0xFFFFFF80  }
0x8f: {  	[tilespmem:s20], [sflag:$0x1] =	stream.indirect.gather [spmem:s2], $0x80, s22, s23, $0xb8;
	[tilespmem:$0x18200] =	vst v63  }
0x90: {  	_ =	swait.ge [sflag:s29], $0x4000  }
0x91: {  	[sflag:s29] =	ssyncset.done $0x0  }
0x92: {  	[sflag:s29] =	ssyncadd.s32 $0xFFFFC000  }
0x93: {  	[hbm4b:s15+s3] =	stream.linear.scatter [tilespmem:s20], [sflag:$0x2], $0x4000, $0x38;
	[tilespmem:$0x18200] =	vst v63  }
0x94: {  	_ =	swait.ge [sflag:s21], $0x4000  }
0x95: {  	[sflag:s21] =	ssyncset.done $0x0  }
0x96: {  	[sflag:s21] =	ssyncadd.s32 $0xFFFFC000  }
0x97: {  	[tilespmem:s22], [sflag:$0x2] =	stream.linear.gather [hbm4b:s11+s3], $0x80, $0x38;
	[tilespmem:$0x18200] =	vst v63  }
0x98: {  	_ =	swait.ge [sflag:s21], $0x80  }
0x99: {  	[sflag:s21] =	ssyncset.done $0x0  }
0x9a: {  	[sflag:s21] =	ssyncadd.s32 $0xFFFFFF80  }
0x9b: {  	[tilespmem:s20], [sflag:$0x1] =	stream.indirect.gather [spmem:s2], $0x80, s22, s23, $0xb8;
	[tilespmem:$0x18200] =	vst v63  }
0x9c: {  	_ =	swait.ge [sflag:s29], $0x4000  }
0x9d: {  	[sflag:s29] =	ssyncset.done $0x0  }
0x9e: {  	[sflag:s29] =	ssyncadd.s32 $0xFFFFC000  }
0x9f: {  	[hbm4b:s16+s3] =	stream.linear.scatter [tilespmem:s20], [sflag:$0x2], $0x4000, $0x38;
	[tilespmem:$0x18200] =	vst v63  }
0xa0: {  	_ =	swait.ge [sflag:s21], $0x4000  }
0xa1: {  	[sflag:s21] =	ssyncset.done $0x0  }
0xa2: {  	[sflag:s21] =	ssyncadd.s32 $0xFFFFC000  }
0xa3: {  	[tilespmem:s22], [sflag:$0x2] =	stream.linear.gather [hbm4b:s12+s3], $0x80, $0x38;
	[tilespmem:$0x18200] =	vst v63  }
0xa4: {  	_ =	swait.ge [sflag:s21], $0x80  }
0xa5: {  	[sflag:s21] =	ssyncset.done $0x0  }
0xa6: {  	[sflag:s21] =	ssyncadd.s32 $0xFFFFFF80  }
0xa7: {  	[tilespmem:s20], [sflag:$0x1] =	stream.indirect.gather [spmem:s2], $0x80, s22, s23, $0xb8;
	[tilespmem:$0x18200] =	vst v63  }
0xa8: {  	_ =	swait.ge [sflag:s29], $0x4000  }
0xa9: {  	[sflag:s29] =	ssyncset.done $0x0  }
0xaa: {  	[sflag:s29] =	ssyncadd.s32 $0xFFFFC000  }
0xab: {  	[hbm4b:s17+s3] =	stream.linear.scatter [tilespmem:s20], [sflag:$0x2], $0x4000, $0x38;
	[tilespmem:$0x18200] =	vst v63  }
0xac: {  	_ =	swait.ge [sflag:s21], $0x4000  }
0xad: {  	[sflag:s21] =	ssyncset.done $0x0  }
0xae: {  	[sflag:s21] =	ssyncadd.s32 $0xFFFFC000  }
0xaf: {  	[tilespmem:s22], [sflag:$0x2] =	stream.linear.gather [hbm4b:s13+s3], $0x80, $0x38;
	[tilespmem:$0x18200] =	vst v63  }
0xb0: {  	_ =	swait.ge [sflag:s21], $0x80  }
0xb1: {  	[sflag:s21] =	ssyncset.done $0x0  }
0xb2: {  	[sflag:s21] =	ssyncadd.s32 $0xFFFFFF80  }
0xb3: {  	[tilespmem:s20], [sflag:$0x1] =	stream.indirect.gather [spmem:s2], $0x80, s22, s23, $0xb8;
	[tilespmem:$0x18200] =	vst v63  }
0xb4: {  	s30 =	sadd.s32 $0x1, s30;
	_ =	swait.ge [sflag:s29], $0x4000  }
0xb5: {  	p0 =	sne.s32 s30, s9;
	[sflag:s29] =	ssyncset.done $0x0  }
.Ltmp1:
0xb6: {  	[sflag:s29] =	ssyncadd.s32 $0xFFFFC000;
	(pc) =	sbr.rel @p0 .LBB2_1-.Ltmp1, $4  }
0xb7: {  	[hbm4b:s18+s3] =	stream.linear.scatter [tilespmem:s20], [sflag:$0x2], $0x4000, $0x38;
	[tilespmem:$0x18200] =	vst v63  }
0xb8: {  	_ =	swait.ge [sflag:s21], $0x4000  }
0xb9: {  	[sflag:s21] =	ssyncset.done $0x0  }
0xba: {  	[sflag:s21] =	ssyncadd.s32 $0xFFFFC000  }
0xbb: {  	_ =	sfence.sel $0x180000  }
0xbc: {  	[bflag:$0x0] =	sbarrier.arrive $0xFFFF  }
0xbd: {  	_ =	strace $0x9000004A  }
0xbe: {  	s0 =	stileid.u32;
	[bflag:$0x2] =	sbarrier.arrive $0xFFFF  }
0xbf: {  	p0 =	sne.s32 s0, $0x0;
	s0 =	rddreg [dreg:$0x3]  }
0xc0: {  	s0 =	sadd.s32 @!p0 $0x100000, s0  }
0xc1: {  	[sflag:s0] =	ssyncadd.tile.s32 @!p0 $0x1;
	_ =	shalt  }
.Lfunc_end2:
_tile_overlayer_lowered:
.L_overlay_start_2:
0xc2: {  	(tag) =	ssettag $0x2  }
0xc3: {  	s0 =	rddreg [dreg:$0x0];
	s2 =	stileid.u32  }
0xc4: {  	s1 =	rddreg [dreg:$0x1];
	p0 =	sne.s32 s2, $0x0  }
0xc5: {  	s3 =	rddreg [dreg:$0x2];
	[bflag:$0x3] =	sbarrier.arrive $0xFFFF;
	s2 =	simm.s32 @!p0 $0x1C02  }
0xc6: {  	[timem:s3], [sflag:s2] =	dma.local @!p0 [hbm:s0], s1  }
0xc7: {  	s0 =	simm.s32 @!p0 $0x2  }
0xc8: {  	_ =	swait.ge @!p0 [sflag:s0], s1  }
0xc9: {  	s1 =	ssub.s32 @!p0 $0x0, s1;
	[sflag:s0] =	ssyncset.done @!p0 $0x0  }
0xca: {  	[sflag:s0] =	ssyncadd.s32 @!p0 s1  }
0xcb: {  	[bflag:$0x3] =	sbarrier.arrive $0xFFFF  }
0xcc: {  	_ =	shalt  }

</sc_bundles>
